<compile_context>
chip_gen: v7x
topology: tpu7x:2x2x1
jax: 0.10.2.dev20260603
libtpu: 0.0.44.dev20260713+nightly
codegen_flags: <defaults>
</compile_context>

<pallas_src>
import functools

import jax
import jax.numpy as jnp
from jax import lax
from jax.experimental import pallas as pl
from jax.experimental.pallas import tpu as pltpu
from jax.experimental.pallas import tpu_sc as plsc

NC, NS, L = 2, 16, 16
NW = NC * NS
B = 16384
D = 32
PACK = 4
VD = PACK * D
BPW = B // NW
CHUNK = 256
NCHUNK = BPW // CHUNK
CGROUPS = CHUNK // L

_mesh = plsc.VectorSubcoreMesh(core_axis_name="c", subcore_axis_name="s",
                               num_cores=NC, num_subcores=NS)


@functools.partial(
    pl.kernel,
    out_type=jax.ShapeDtypeStruct((B,), jnp.float32),
    mesh=_mesh,
    scratch_types=[
        pltpu.VMEM((BPW,), jnp.int32),
        pltpu.VMEM((BPW,), jnp.int32),
        pltpu.VMEM((BPW,), jnp.int32),
        pltpu.VMEM((BPW,), jnp.int32),
        pltpu.VMEM((CHUNK, VD), jnp.float32),
        pltpu.VMEM((CHUNK, VD), jnp.float32),
        pltpu.VMEM((BPW,), jnp.float32),
        pltpu.SemaphoreType.DMA,
        pltpu.SemaphoreType.DMA,
    ],
    compiler_params=pltpu.CompilerParams(use_tc_tiling_on_sc=True,
                                         needs_layout_passes=False),
)
def _dot_kernel(user_hbm, game_hbm, utab_hbm, gtab_hbm, out_hbm,
                uidx_v, gidx_v, uvidx, gvidx, urows, grows, outv,
                sem_u, sem_g):
    wid = lax.axis_index("s") * NC + lax.axis_index("c")
    base = wid * BPW

    pltpu.sync_copy(user_hbm.at[pl.ds(base, BPW)], uidx_v)
    pltpu.sync_copy(game_hbm.at[pl.ds(base, BPW)], gidx_v)

    lane = lax.iota(jnp.int32, L)

    def vidx_body(g, carry):
        sl = pl.ds(g * L, L)
        uvidx[sl] = uidx_v[sl] >> 2
        gvidx[sl] = gidx_v[sl] >> 2
        return carry

    lax.fori_loop(0, BPW // L, vidx_body, 0)

    for c in range(NCHUNK):
        cbase = c * CHUNK
        cu = pltpu.async_copy(utab_hbm.at[uvidx.at[pl.ds(cbase, CHUNK)]],
                              urows, sem_u)
        cg = pltpu.async_copy(gtab_hbm.at[gvidx.at[pl.ds(cbase, CHUNK)]],
                              grows, sem_g)
        cu.wait()
        cg.wait()

        def group_body(g, carry):
            rows = g * L + lane
            u16 = uidx_v[pl.ds(cbase + g * L, L)]
            g16 = gidx_v[pl.ds(cbase + g * L, L)]
            ucol0 = (u16 & 3) * D
            gcol0 = (g16 & 3) * D
            acc = jnp.zeros((L,), jnp.float32)
            for d in range(D):
                vu = plsc.load_gather(urows, [rows, ucol0 + d])
                vg = plsc.load_gather(grows, [rows, gcol0 + d])
                acc = acc + vu * vg
            outv[pl.ds(cbase + g * L, L)] = acc
            return carry

        lax.fori_loop(0, CGROUPS, group_body, 0)

    pltpu.sync_copy(outv, out_hbm.at[pl.ds(base, BPW)])


def kernel(user, game, user_table, game_table):
    nu, ng = user_table.shape[0], game_table.shape[0]
    utab_v = user_table.reshape(nu // PACK, VD)
    gtab_v = game_table.reshape(ng // PACK, VD)
    return _dot_kernel(user.astype(jnp.int32), game.astype(jnp.int32),
                       utab_v, gtab_v)

# --- scband reference (transcript-rebuilt; emitter-appended) ---
"""Pipeline reference for scband-recommender-net-9577777070293 (READ-ONLY COPY).

The authoritative reference and input builder live on the scoring server;
editing this copy changes nothing except your own understanding.
"""

import jax, jax.numpy as jnp
import numpy as np

NUM_USERS = 1000000
NUM_GAMES = 100000
EMBED_DIM = 32
BATCH = 16384

def setup_inputs(seed: int = 0) -> dict:
    key = jax.random.key(seed)
    k1, k2, k3, k4 = jax.random.split(key, 4)
    user = jax.random.randint(k1, (BATCH,), 0, NUM_USERS, dtype=jnp.int64 if jax.config.jax_enable_x64 else jnp.int32)
    game = jax.random.randint(k2, (BATCH,), 0, NUM_GAMES, dtype=jnp.int64 if jax.config.jax_enable_x64 else jnp.int32)
    user_table = jax.random.normal(k3, (NUM_USERS, EMBED_DIM), dtype=jnp.float32)
    game_table = jax.random.normal(k4, (NUM_GAMES, EMBED_DIM), dtype=jnp.float32)
    return {"user": user, "game": game, "user_table": user_table, "game_table": game_table}

def reference(user, game, user_table, game_table):
    # user_emb = self.user_embeddings(user)
    user_emb = jnp.take(user_table, user, axis=0)
    # game_emb = self.game_embeddings(game)
    game_emb = jnp.take(game_table, game, axis=0)
    # (user_emb * game_emb).sum(1)
    return (user_emb * game_emb).sum(axis=1)

if __name__ == "__main__":
    import jax
    _d = setup_inputs()
    print(jax.jit(kernel)(*tuple(_d.values())))

</pallas_src>

<mosaic_0001>
#map = affine_map<(d0, d1) -> (0)>
#map1 = affine_map<(d0, d1) -> (0, 0)>
module attributes {stable_mosaic.version = 14 : i64} {
  func.func @_dot_kernel(%arg0: i32, %arg1: i32, %arg2: memref<16384xi32, #tpu.memory_space<hbm>>, %arg3: memref<16384xi32, #tpu.memory_space<hbm>>, %arg4: memref<250000x128xf32, #tpu.memory_space<hbm>>, %arg5: memref<25000x128xf32, #tpu.memory_space<hbm>>, %arg6: memref<16384xf32, #tpu.memory_space<hbm>>, %arg7: memref<512xi32, #tpu.memory_space<vmem>>, %arg8: memref<512xi32, #tpu.memory_space<vmem>>, %arg9: memref<512xi32, #tpu.memory_space<vmem>>, %arg10: memref<512xi32, #tpu.memory_space<vmem>>, %arg11: memref<256x128xf32, #tpu.memory_space<vmem>>, %arg12: memref<256x128xf32, #tpu.memory_space<vmem>>, %arg13: memref<512xf32, #tpu.memory_space<vmem>>, %arg14: memref<!tpu.dma_semaphore, #tpu.memory_space<semaphore_mem>>, %arg15: memref<!tpu.dma_semaphore, #tpu.memory_space<semaphore_mem>>) attributes {dimension_semantics = [#tpu.dimension_semantics<core_parallel>, #tpu.dimension_semantics<subcore_parallel>], iteration_bounds = array<i64: 2, 16>, scalar_prefetch = 0 : i64, scratch_operands = 9 : i64, tpu.core_type = #tpu.core_type<sc_vector_subcore>, window_params = [{transform_indices = #map}, {transform_indices = #map}, {transform_indices = #map1}, {transform_indices = #map1}, {transform_indices = #map}]} {
    %mul3A = arith.constant 2 : i32
    %mul3A_0 = arith.muli %arg1, %mul3A : i32
    %add3A = arith.addi %mul3A_0, %arg0 : i32
    %mul3A_1 = arith.constant 512 : i32
    %mul3A_2 = arith.muli %add3A, %mul3A_1 : i32
    "tpu.region"() ({
      %run_scoped3A = tpu.sem_alloc : memref<!tpu.dma_semaphore, #tpu.memory_space<semaphore_mem>>
      %dma_start3A_58 = tpu.memref_slice %arg2[%mul3A_2] : memref<16384xi32, #tpu.memory_space<hbm>> -> memref<512xi32, #tpu.memory_space<hbm>>
      %dma_start3A_59 = tpu.memref_slice %arg2[%mul3A_2] : memref<16384xi32, #tpu.memory_space<hbm>> -> memref<512xi32, #tpu.memory_space<hbm>>
      tpu.enqueue_dma source(%dma_start3A_59 : memref<512xi32, #tpu.memory_space<hbm>>) target(%arg7 : memref<512xi32, #tpu.memory_space<vmem>>) target_semaphore(%run_scoped3A : memref<!tpu.dma_semaphore, #tpu.memory_space<semaphore_mem>>)
      %dma_wait3A_60 = tpu.memref_slice %arg2[%mul3A_2] : memref<16384xi32, #tpu.memory_space<hbm>> -> memref<512xi32, #tpu.memory_space<hbm>>
      %dma_wait3A_61 = tpu.memref_slice %arg2[%mul3A_2] : memref<16384xi32, #tpu.memory_space<hbm>> -> memref<512xi32, #tpu.memory_space<hbm>>
      tpu.wait_dma2 semaphore(%run_scoped3A : memref<!tpu.dma_semaphore, #tpu.memory_space<semaphore_mem>>) src(%dma_wait3A_61 : memref<512xi32, #tpu.memory_space<hbm>>) dst(%arg7 : memref<512xi32, #tpu.memory_space<vmem>>)
      tpu.yield
    }) : () -> ()
    "tpu.region"() ({
      %run_scoped3A = tpu.sem_alloc : memref<!tpu.dma_semaphore, #tpu.memory_space<semaphore_mem>>
      %dma_start3A_58 = tpu.memref_slice %arg3[%mul3A_2] : memref<16384xi32, #tpu.memory_space<hbm>> -> memref<512xi32, #tpu.memory_space<hbm>>
      %dma_start3A_59 = tpu.memref_slice %arg3[%mul3A_2] : memref<16384xi32, #tpu.memory_space<hbm>> -> memref<512xi32, #tpu.memory_space<hbm>>
      tpu.enqueue_dma source(%dma_start3A_59 : memref<512xi32, #tpu.memory_space<hbm>>) target(%arg8 : memref<512xi32, #tpu.memory_space<vmem>>) target_semaphore(%run_scoped3A : memref<!tpu.dma_semaphore, #tpu.memory_space<semaphore_mem>>)
      %dma_wait3A_60 = tpu.memref_slice %arg3[%mul3A_2] : memref<16384xi32, #tpu.memory_space<hbm>> -> memref<512xi32, #tpu.memory_space<hbm>>
      %dma_wait3A_61 = tpu.memref_slice %arg3[%mul3A_2] : memref<16384xi32, #tpu.memory_space<hbm>> -> memref<512xi32, #tpu.memory_space<hbm>>
      tpu.wait_dma2 semaphore(%run_scoped3A : memref<!tpu.dma_semaphore, #tpu.memory_space<semaphore_mem>>) src(%dma_wait3A_61 : memref<512xi32, #tpu.memory_space<hbm>>) dst(%arg8 : memref<512xi32, #tpu.memory_space<vmem>>)
      tpu.yield
    }) : () -> ()
    %iota3A = tpu.iota {dimensions = array<i32: 0>} : vector<16xi32>
    %scan3A = arith.constant 0 : i32
    %scan3A_3 = arith.constant 0 : i32
    %scan3A_4 = arith.constant 32 : i32
    %scan3A_5 = arith.addi %scan3A_3, %scan3A_4 : i32
    %scan3A_6 = arith.constant 1 : i32
    scf.for %scan3A_58 = %scan3A_3 to %scan3A_5 step %scan3A_6  : i32 {
      %mul3A_59 = arith.constant 16 : i32
      %mul3A_60 = arith.muli %scan3A_58, %mul3A_59 : i32
      %get3A = arith.index_cast %mul3A_60 : i32 to index
      %get3A_61 = tpu.vector_load %arg7[%get3A] {strides = array<i32>} : memref<512xi32, #tpu.memory_space<vmem>>, vector<16xi32>,
      %shift_right_arithmetic3A = arith.constant 2 : i32
      %shift_right_arithmetic3A_62 = vector.broadcast %shift_right_arithmetic3A : i32 to vector<16xi32>
      %shift_right_arithmetic3A_63 = arith.shrsi %get3A_61, %shift_right_arithmetic3A_62 : vector<16xi32>
      %swap3A = arith.index_cast %mul3A_60 : i32 to index
      %swap3A_64 = tpu.vector_load %arg9[%swap3A] {strides = array<i32>} : memref<512xi32, #tpu.memory_space<vmem>>, vector<16xi32>,
      tpu.vector_store %arg9[%swap3A], %shift_right_arithmetic3A_63 {strides = array<i32>} : memref<512xi32, #tpu.memory_space<vmem>>, vector<16xi32>,
      %get3A_65 = arith.index_cast %mul3A_60 : i32 to index
      %get3A_66 = tpu.vector_load %arg8[%get3A_65] {strides = array<i32>} : memref<512xi32, #tpu.memory_space<vmem>>, vector<16xi32>,
      %shift_right_arithmetic3A_67 = arith.constant 2 : i32
      %shift_right_arithmetic3A_68 = vector.broadcast %shift_right_arithmetic3A_67 : i32 to vector<16xi32>
      %shift_right_arithmetic3A_69 = arith.shrsi %get3A_66, %shift_right_arithmetic3A_68 : vector<16xi32>
      %swap3A_70 = arith.index_cast %mul3A_60 : i32 to index
      %swap3A_71 = tpu.vector_load %arg10[%swap3A_70] {strides = array<i32>} : memref<512xi32, #tpu.memory_space<vmem>>, vector<16xi32>,
      tpu.vector_store %arg10[%swap3A_70], %shift_right_arithmetic3A_69 {strides = array<i32>} : memref<512xi32, #tpu.memory_space<vmem>>, vector<16xi32>,
    }
    %scan3A_7 = arith.constant 32 : i32
    %dma_start3A = arith.constant 0 : i32
    %dma_start3A_8 = tpu.memref_slice %arg9[%dma_start3A] : memref<512xi32, #tpu.memory_space<vmem>> -> memref<256xi32, #tpu.memory_space<vmem>>
    %dma_start3A_9 = arith.constant 0 : i32
    %dma_start3A_10 = arith.constant 0 : i32
    %dma_start3A_11 = tpu.memref_slice %arg4[%dma_start3A_9, %dma_start3A_10] : memref<250000x128xf32, #tpu.memory_space<hbm>> -> memref<250000x128xf32, #tpu.memory_space<hbm>>
    tpu.enqueue_indirect_dma source(%dma_start3A_11 : memref<250000x128xf32, #tpu.memory_space<hbm>>) target(%arg11 : memref<256x128xf32, #tpu.memory_space<vmem>>) offsets(%dma_start3A_8 : memref<256xi32, #tpu.memory_space<vmem>>) semaphore(%arg14 : memref<!tpu.dma_semaphore, #tpu.memory_space<semaphore_mem>>)
    %dma_start3A_12 = arith.constant 0 : i32
    %dma_start3A_13 = tpu.memref_slice %arg10[%dma_start3A_12] : memref<512xi32, #tpu.memory_space<vmem>> -> memref<256xi32, #tpu.memory_space<vmem>>
    %dma_start3A_14 = arith.constant 0 : i32
    %dma_start3A_15 = arith.constant 0 : i32
    %dma_start3A_16 = tpu.memref_slice %arg5[%dma_start3A_14, %dma_start3A_15] : memref<25000x128xf32, #tpu.memory_space<hbm>> -> memref<25000x128xf32, #tpu.memory_space<hbm>>
    tpu.enqueue_indirect_dma source(%dma_start3A_16 : memref<25000x128xf32, #tpu.memory_space<hbm>>) target(%arg12 : memref<256x128xf32, #tpu.memory_space<vmem>>) offsets(%dma_start3A_13 : memref<256xi32, #tpu.memory_space<vmem>>) semaphore(%arg15 : memref<!tpu.dma_semaphore, #tpu.memory_space<semaphore_mem>>)
    %dma_wait3A = arith.constant 0 : i32
    %dma_wait3A_17 = tpu.memref_slice %arg9[%dma_wait3A] : memref<512xi32, #tpu.memory_space<vmem>> -> memref<256xi32, #tpu.memory_space<vmem>>
    %dma_wait3A_18 = arith.constant 0 : i32
    %dma_wait3A_19 = arith.constant 0 : i32
    %dma_wait3A_20 = tpu.memref_slice %arg4[%dma_wait3A_18, %dma_wait3A_19] : memref<250000x128xf32, #tpu.memory_space<hbm>> -> memref<250000x128xf32, #tpu.memory_space<hbm>>
    tpu.wait_indirect_dma semaphore(%arg14 : memref<!tpu.dma_semaphore, #tpu.memory_space<semaphore_mem>>) src(%dma_wait3A_20 : memref<250000x128xf32, #tpu.memory_space<hbm>>) dst(%arg11 : memref<256x128xf32, #tpu.memory_space<vmem>>)
    %dma_wait3A_21 = arith.constant 0 : i32
    %dma_wait3A_22 = tpu.memref_slice %arg10[%dma_wait3A_21] : memref<512xi32, #tpu.memory_space<vmem>> -> memref<256xi32, #tpu.memory_space<vmem>>
    %dma_wait3A_23 = arith.constant 0 : i32
    %dma_wait3A_24 = arith.constant 0 : i32
    %dma_wait3A_25 = tpu.memref_slice %arg5[%dma_wait3A_23, %dma_wait3A_24] : memref<25000x128xf32, #tpu.memory_space<hbm>> -> memref<25000x128xf32, #tpu.memory_space<hbm>>
    tpu.wait_indirect_dma semaphore(%arg15 : memref<!tpu.dma_semaphore, #tpu.memory_space<semaphore_mem>>) src(%dma_wait3A_25 : memref<25000x128xf32, #tpu.memory_space<hbm>>) dst(%arg12 : memref<256x128xf32, #tpu.memory_space<vmem>>)
    %scan3A_26 = arith.constant 0 : i32
    %scan3A_27 = arith.constant 0 : i32
    %scan3A_28 = arith.constant 16 : i32
    %scan3A_29 = arith.addi %scan3A_27, %scan3A_28 : i32
    %scan3A_30 = arith.constant 1 : i32
    scf.for %scan3A_58 = %scan3A_27 to %scan3A_29 step %scan3A_30  : i32 {
      %mul3A_59 = arith.constant 16 : i32
      %mul3A_60 = arith.muli %scan3A_58, %mul3A_59 : i32
      %add3A_61 = vector.broadcast %mul3A_60 : i32 to vector<16xi32>
      %add3A_62 = arith.addi %add3A_61, %iota3A : vector<16xi32>
      %mul3A_63 = arith.constant 16 : i32
      %mul3A_64 = arith.muli %scan3A_58, %mul3A_63 : i32
      %add3A_65 = arith.constant 0 : i32
      %add3A_66 = arith.addi %add3A_65, %mul3A_64 : i32
      %get3A = arith.index_cast %add3A_66 : i32 to index
      %get3A_67 = tpu.vector_load %arg7[%get3A] {strides = array<i32>} : memref<512xi32, #tpu.memory_space<vmem>>, vector<16xi32>,
      %mul3A_68 = arith.constant 16 : i32
      %mul3A_69 = arith.muli %scan3A_58, %mul3A_68 : i32
      %add3A_70 = arith.constant 0 : i32
      %add3A_71 = arith.addi %add3A_70, %mul3A_69 : i32
      %get3A_72 = arith.index_cast %add3A_71 : i32 to index
      %get3A_73 = tpu.vector_load %arg8[%get3A_72] {strides = array<i32>} : memref<512xi32, #tpu.memory_space<vmem>>, vector<16xi32>,
      %and3A = arith.constant 3 : i32
      %and3A_74 = vector.broadcast %and3A : i32 to vector<16xi32>
      %and3A_75 = arith.andi %get3A_67, %and3A_74 : vector<16xi32>
      %mul3A_76 = arith.constant 32 : i32
      %mul3A_77 = vector.broadcast %mul3A_76 : i32 to vector<16xi32>
      %mul3A_78 = arith.muli %and3A_75, %mul3A_77 : vector<16xi32>
      %and3A_79 = arith.constant 3 : i32
      %and3A_80 = vector.broadcast %and3A_79 : i32 to vector<16xi32>
      %and3A_81 = arith.andi %get3A_73, %and3A_80 : vector<16xi32>
      %mul3A_82 = arith.constant 32 : i32
      %mul3A_83 = vector.broadcast %mul3A_82 : i32 to vector<16xi32>
      %mul3A_84 = arith.muli %and3A_81, %mul3A_83 : vector<16xi32>
      %broadcast_in_dim3A = arith.constant 0.000000e+00 : f32
      %broadcast_in_dim3A_85 = vector.broadcast %broadcast_in_dim3A : f32 to vector<16xf32>
      %add3A_86 = arith.constant 0 : i32
      %add3A_87 = vector.broadcast %add3A_86 : i32 to vector<16xi32>
      %add3A_88 = arith.addi %mul3A_78, %add3A_87 : vector<16xi32>
      %gather3A = tpu.vector_load_idx %arg11[%add3A_62, %add3A_88] : memref<256x128xf32, #tpu.memory_space<vmem>>[vector<16xi32>, vector<16xi32>], vector<16xf32>,
      %add3A_89 = arith.constant 0 : i32
      %add3A_90 = vector.broadcast %add3A_89 : i32 to vector<16xi32>
      %add3A_91 = arith.addi %mul3A_84, %add3A_90 : vector<16xi32>
      %gather3A_92 = tpu.vector_load_idx %arg12[%add3A_62, %add3A_91] : memref<256x128xf32, #tpu.memory_space<vmem>>[vector<16xi32>, vector<16xi32>], vector<16xf32>,
      %mul3A_93 = arith.mulf %gather3A, %gather3A_92 : vector<16xf32>
      %add3A_94 = arith.addf %broadcast_in_dim3A_85, %mul3A_93 : vector<16xf32>
      %add3A_95 = arith.constant 1 : i32
      %add3A_96 = vector.broadcast %add3A_95 : i32 to vector<16xi32>
      %add3A_97 = arith.addi %mul3A_78, %add3A_96 : vector<16xi32>
      %gather3A_98 = tpu.vector_load_idx %arg11[%add3A_62, %add3A_97] : memref<256x128xf32, #tpu.memory_space<vmem>>[vector<16xi32>, vector<16xi32>], vector<16xf32>,
      %add3A_99 = arith.constant 1 : i32
      %add3A_100 = vector.broadcast %add3A_99 : i32 to vector<16xi32>
      %add3A_101 = arith.addi %mul3A_84, %add3A_100 : vector<16xi32>
      %gather3A_102 = tpu.vector_load_idx %arg12[%add3A_62, %add3A_101] : memref<256x128xf32, #tpu.memory_space<vmem>>[vector<16xi32>, vector<16xi32>], vector<16xf32>,
      %mul3A_103 = arith.mulf %gather3A_98, %gather3A_102 : vector<16xf32>
      %add3A_104 = arith.addf %add3A_94, %mul3A_103 : vector<16xf32>
      %add3A_105 = arith.constant 2 : i32
      %add3A_106 = vector.broadcast %add3A_105 : i32 to vector<16xi32>
      %add3A_107 = arith.addi %mul3A_78, %add3A_106 : vector<16xi32>
      %gather3A_108 = tpu.vector_load_idx %arg11[%add3A_62, %add3A_107] : memref<256x128xf32, #tpu.memory_space<vmem>>[vector<16xi32>, vector<16xi32>], vector<16xf32>,
      %add3A_109 = arith.constant 2 : i32
      %add3A_110 = vector.broadcast %add3A_109 : i32 to vector<16xi32>
      %add3A_111 = arith.addi %mul3A_84, %add3A_110 : vector<16xi32>
      %gather3A_112 = tpu.vector_load_idx %arg12[%add3A_62, %add3A_111] : memref<256x128xf32, #tpu.memory_space<vmem>>[vector<16xi32>, vector<16xi32>], vector<16xf32>,
      %mul3A_113 = arith.mulf %gather3A_108, %gather3A_112 : vector<16xf32>
      %add3A_114 = arith.addf %add3A_104, %mul3A_113 : vector<16xf32>
      %add3A_115 = arith.constant 3 : i32
      %add3A_116 = vector.broadcast %add3A_115 : i32 to vector<16xi32>
      %add3A_117 = arith.addi %mul3A_78, %add3A_116 : vector<16xi32>
      %gather3A_118 = tpu.vector_load_idx %arg11[%add3A_62, %add3A_117] : memref<256x128xf32, #tpu.memory_space<vmem>>[vector<16xi32>, vector<16xi32>], vector<16xf32>,
      %add3A_119 = arith.constant 3 : i32
      %add3A_120 = vector.broadcast %add3A_119 : i32 to vector<16xi32>
      %add3A_121 = arith.addi %mul3A_84, %add3A_120 : vector<16xi32>
      %gather3A_122 = tpu.vector_load_idx %arg12[%add3A_62, %add3A_121] : memref<256x128xf32, #tpu.memory_space<vmem>>[vector<16xi32>, vector<16xi32>], vector<16xf32>,
      %mul3A_123 = arith.mulf %gather3A_118, %gather3A_122 : vector<16xf32>
      %add3A_124 = arith.addf %add3A_114, %mul3A_123 : vector<16xf32>
      %add3A_125 = arith.constant 4 : i32
      %add3A_126 = vector.broadcast %add3A_125 : i32 to vector<16xi32>
      %add3A_127 = arith.addi %mul3A_78, %add3A_126 : vector<16xi32>
      %gather3A_128 = tpu.vector_load_idx %arg11[%add3A_62, %add3A_127] : memref<256x128xf32, #tpu.memory_space<vmem>>[vector<16xi32>, vector<16xi32>], vector<16xf32>,
      %add3A_129 = arith.constant 4 : i32
      %add3A_130 = vector.broadcast %add3A_129 : i32 to vector<16xi32>
      %add3A_131 = arith.addi %mul3A_84, %add3A_130 : vector<16xi32>
      %gather3A_132 = tpu.vector_load_idx %arg12[%add3A_62, %add3A_131] : memref<256x128xf32, #tpu.memory_space<vmem>>[vector<16xi32>, vector<16xi32>], vector<16xf32>,
      %mul3A_133 = arith.mulf %gather3A_128, %gather3A_132 : vector<16xf32>
      %add3A_134 = arith.addf %add3A_124, %mul3A_133 : vector<16xf32>
      %add3A_135 = arith.constant 5 : i32
      %add3A_136 = vector.broadcast %add3A_135 : i32 to vector<16xi32>
      %add3A_137 = arith.addi %mul3A_78, %add3A_136 : vector<16xi32>
      %gather3A_138 = tpu.vector_load_idx %arg11[%add3A_62, %add3A_137] : memref<256x128xf32, #tpu.memory_space<vmem>>[vector<16xi32>, vector<16xi32>], vector<16xf32>,
      %add3A_139 = arith.constant 5 : i32
      %add3A_140 = vector.broadcast %add3A_139 : i32 to vector<16xi32>
      %add3A_141 = arith.addi %mul3A_84, %add3A_140 : vector<16xi32>
      %gather3A_142 = tpu.vector_load_idx %arg12[%add3A_62, %add3A_141] : memref<256x128xf32, #tpu.memory_space<vmem>>[vector<16xi32>, vector<16xi32>], vector<16xf32>,
      %mul3A_143 = arith.mulf %gather3A_138, %gather3A_142 : vector<16xf32>
      %add3A_144 = arith.addf %add3A_134, %mul3A_143 : vector<16xf32>
      %add3A_145 = arith.constant 6 : i32
      %add3A_146 = vector.broadcast %add3A_145 : i32 to vector<16xi32>
      %add3A_147 = arith.addi %mul3A_78, %add3A_146 : vector<16xi32>
      %gather3A_148 = tpu.vector_load_idx %arg11[%add3A_62, %add3A_147] : memref<256x128xf32, #tpu.memory_space<vmem>>[vector<16xi32>, vector<16xi32>], vector<16xf32>,
      %add3A_149 = arith.constant 6 : i32
      %add3A_150 = vector.broadcast %add3A_149 : i32 to vector<16xi32>
      %add3A_151 = arith.addi %mul3A_84, %add3A_150 : vector<16xi32>
      %gather3A_152 = tpu.vector_load_idx %arg12[%add3A_62, %add3A_151] : memref<256x128xf32, #tpu.memory_space<vmem>>[vector<16xi32>, vector<16xi32>], vector<16xf32>,
      %mul3A_153 = arith.mulf %gather3A_148, %gather3A_152 : vector<16xf32>
      %add3A_154 = arith.addf %add3A_144, %mul3A_153 : vector<16xf32>
      %add3A_155 = arith.constant 7 : i32
      %add3A_156 = vector.broadcast %add3A_155 : i32 to vector<16xi32>
      %add3A_157 = arith.addi %mul3A_78, %add3A_156 : vector<16xi32>
      %gather3A_158 = tpu.vector_load_idx %arg11[%add3A_62, %add3A_157] : memref<256x128xf32, #tpu.memory_space<vmem>>[vector<16xi32>, vector<16xi32>], vector<16xf32>,
      %add3A_159 = arith.constant 7 : i32
      %add3A_160 = vector.broadcast %add3A_159 : i32 to vector<16xi32>
      %add3A_161 = arith.addi %mul3A_84, %add3A_160 : vector<16xi32>
      %gather3A_162 = tpu.vector_load_idx %arg12[%add3A_62, %add3A_161] : memref<256x128xf32, #tpu.memory_space<vmem>>[vector<16xi32>, vector<16xi32>], vector<16xf32>,
      %mul3A_163 = arith.mulf %gather3A_158, %gather3A_162 : vector<16xf32>
      %add3A_164 = arith.addf %add3A_154, %mul3A_163 : vector<16xf32>
      %add3A_165 = arith.constant 8 : i32
      %add3A_166 = vector.broadcast %add3A_165 : i32 to vector<16xi32>
      %add3A_167 = arith.addi %mul3A_78, %add3A_166 : vector<16xi32>
      %gather3A_168 = tpu.vector_load_idx %arg11[%add3A_62, %add3A_167] : memref<256x128xf32, #tpu.memory_space<vmem>>[vector<16xi32>, vector<16xi32>], vector<16xf32>,
      %add3A_169 = arith.constant 8 : i32
      %add3A_170 = vector.broadcast %add3A_169 : i32 to vector<16xi32>
      %add3A_171 = arith.addi %mul3A_84, %add3A_170 : vector<16xi32>
      %gather3A_172 = tpu.vector_load_idx %arg12[%add3A_62, %add3A_171] : memref<256x128xf32, #tpu.memory_space<vmem>>[vector<16xi32>, vector<16xi32>], vector<16xf32>,
      %mul3A_173 = arith.mulf %gather3A_168, %gather3A_172 : vector<16xf32>
      %add3A_174 = arith.addf %add3A_164, %mul3A_173 : vector<16xf32>
      %add3A_175 = arith.constant 9 : i32
      %add3A_176 = vector.broadcast %add3A_175 : i32 to vector<16xi32>
      %add3A_177 = arith.addi %mul3A_78, %add3A_176 : vector<16xi32>
      %gather3A_178 = tpu.vector_load_idx %arg11[%add3A_62, %add3A_177] : memref<256x128xf32, #tpu.memory_space<vmem>>[vector<16xi32>, vector<16xi32>], vector<16xf32>,
      %add3A_179 = arith.constant 9 : i32
      %add3A_180 = vector.broadcast %add3A_179 : i32 to vector<16xi32>
      %add3A_181 = arith.addi %mul3A_84, %add3A_180 : vector<16xi32>
      %gather3A_182 = tpu.vector_load_idx %arg12[%add3A_62, %add3A_181] : memref<256x128xf32, #tpu.memory_space<vmem>>[vector<16xi32>, vector<16xi32>], vector<16xf32>,
      %mul3A_183 = arith.mulf %gather3A_178, %gather3A_182 : vector<16xf32>
      %add3A_184 = arith.addf %add3A_174, %mul3A_183 : vector<16xf32>
      %add3A_185 = arith.constant 10 : i32
      %add3A_186 = vector.broadcast %add3A_185 : i32 to vector<16xi32>
      %add3A_187 = arith.addi %mul3A_78, %add3A_186 : vector<16xi32>
      %gather3A_188 = tpu.vector_load_idx %arg11[%add3A_62, %add3A_187] : memref<256x128xf32, #tpu.memory_space<vmem>>[vector<16xi32>, vector<16xi32>], vector<16xf32>,
      %add3A_189 = arith.constant 10 : i32
      %add3A_190 = vector.broadcast %add3A_189 : i32 to vector<16xi32>
      %add3A_191 = arith.addi %mul3A_84, %add3A_190 : vector<16xi32>
      %gather3A_192 = tpu.vector_load_idx %arg12[%add3A_62, %add3A_191] : memref<256x128xf32, #tpu.memory_space<vmem>>[vector<16xi32>, vector<16xi32>], vector<16xf32>,
      %mul3A_193 = arith.mulf %gather3A_188, %gather3A_192 : vector<16xf32>
      %add3A_194 = arith.addf %add3A_184, %mul3A_193 : vector<16xf32>
      %add3A_195 = arith.constant 11 : i32
      %add3A_196 = vector.broadcast %add3A_195 : i32 to vector<16xi32>
      %add3A_197 = arith.addi %mul3A_78, %add3A_196 : vector<16xi32>
      %gather3A_198 = tpu.vector_load_idx %arg11[%add3A_62, %add3A_197] : memref<256x128xf32, #tpu.memory_space<vmem>>[vector<16xi32>, vector<16xi32>], vector<16xf32>,
      %add3A_199 = arith.constant 11 : i32
      %add3A_200 = vector.broadcast %add3A_199 : i32 to vector<16xi32>
      %add3A_201 = arith.addi %mul3A_84, %add3A_200 : vector<16xi32>
      %gather3A_202 = tpu.vector_load_idx %arg12[%add3A_62, %add3A_201] : memref<256x128xf32, #tpu.memory_space<vmem>>[vector<16xi32>, vector<16xi32>], vector<16xf32>,
      %mul3A_203 = arith.mulf %gather3A_198, %gather3A_202 : vector<16xf32>
      %add3A_204 = arith.addf %add3A_194, %mul3A_203 : vector<16xf32>
      %add3A_205 = arith.constant 12 : i32
      %add3A_206 = vector.broadcast %add3A_205 : i32 to vector<16xi32>
      %add3A_207 = arith.addi %mul3A_78, %add3A_206 : vector<16xi32>
      %gather3A_208 = tpu.vector_load_idx %arg11[%add3A_62, %add3A_207] : memref<256x128xf32, #tpu.memory_space<vmem>>[vector<16xi32>, vector<16xi32>], vector<16xf32>,
      %add3A_209 = arith.constant 12 : i32
      %add3A_210 = vector.broadcast %add3A_209 : i32 to vector<16xi32>
      %add3A_211 = arith.addi %mul3A_84, %add3A_210 : vector<16xi32>
      %gather3A_212 = tpu.vector_load_idx %arg12[%add3A_62, %add3A_211] : memref<256x128xf32, #tpu.memory_space<vmem>>[vector<16xi32>, vector<16xi32>], vector<16xf32>,
      %mul3A_213 = arith.mulf %gather3A_208, %gather3A_212 : vector<16xf32>
      %add3A_214 = arith.addf %add3A_204, %mul3A_213 : vector<16xf32>
      %add3A_215 = arith.constant 13 : i32
      %add3A_216 = vector.broadcast %add3A_215 : i32 to vector<16xi32>
      %add3A_217 = arith.addi %mul3A_78, %add3A_216 : vector<16xi32>
      %gather3A_218 = tpu.vector_load_idx %arg11[%add3A_62, %add3A_217] : memref<256x128xf32, #tpu.memory_space<vmem>>[vector<16xi32>, vector<16xi32>], vector<16xf32>,
      %add3A_219 = arith.constant 13 : i32
      %add3A_220 = vector.broadcast %add3A_219 : i32 to vector<16xi32>
      %add3A_221 = arith.addi %mul3A_84, %add3A_220 : vector<16xi32>
      %gather3A_222 = tpu.vector_load_idx %arg12[%add3A_62, %add3A_221] : memref<256x128xf32, #tpu.memory_space<vmem>>[vector<16xi32>, vector<16xi32>], vector<16xf32>,
      %mul3A_223 = arith.mulf %gather3A_218, %gather3A_222 : vector<16xf32>
      %add3A_224 = arith.addf %add3A_214, %mul3A_223 : vector<16xf32>
      %add3A_225 = arith.constant 14 : i32
      %add3A_226 = vector.broadcast %add3A_225 : i32 to vector<16xi32>
      %add3A_227 = arith.addi %mul3A_78, %add3A_226 : vector<16xi32>
      %gather3A_228 = tpu.vector_load_idx %arg11[%add3A_62, %add3A_227] : memref<256x128xf32, #tpu.memory_space<vmem>>[vector<16xi32>, vector<16xi32>], vector<16xf32>,
      %add3A_229 = arith.constant 14 : i32
      %add3A_230 = vector.broadcast %add3A_229 : i32 to vector<16xi32>
      %add3A_231 = arith.addi %mul3A_84, %add3A_230 : vector<16xi32>
      %gather3A_232 = tpu.vector_load_idx %arg12[%add3A_62, %add3A_231] : memref<256x128xf32, #tpu.memory_space<vmem>>[vector<16xi32>, vector<16xi32>], vector<16xf32>,
      %mul3A_233 = arith.mulf %gather3A_228, %gather3A_232 : vector<16xf32>
      %add3A_234 = arith.addf %add3A_224, %mul3A_233 : vector<16xf32>
      %add3A_235 = arith.constant 15 : i32
      %add3A_236 = vector.broadcast %add3A_235 : i32 to vector<16xi32>
      %add3A_237 = arith.addi %mul3A_78, %add3A_236 : vector<16xi32>
      %gather3A_238 = tpu.vector_load_idx %arg11[%add3A_62, %add3A_237] : memref<256x128xf32, #tpu.memory_space<vmem>>[vector<16xi32>, vector<16xi32>], vector<16xf32>,
      %add3A_239 = arith.constant 15 : i32
      %add3A_240 = vector.broadcast %add3A_239 : i32 to vector<16xi32>
      %add3A_241 = arith.addi %mul3A_84, %add3A_240 : vector<16xi32>
      %gather3A_242 = tpu.vector_load_idx %arg12[%add3A_62, %add3A_241] : memref<256x128xf32, #tpu.memory_space<vmem>>[vector<16xi32>, vector<16xi32>], vector<16xf32>,
      %mul3A_243 = arith.mulf %gather3A_238, %gather3A_242 : vector<16xf32>
      %add3A_244 = arith.addf %add3A_234, %mul3A_243 : vector<16xf32>
      %add3A_245 = arith.constant 16 : i32
      %add3A_246 = vector.broadcast %add3A_245 : i32 to vector<16xi32>
      %add3A_247 = arith.addi %mul3A_78, %add3A_246 : vector<16xi32>
      %gather3A_248 = tpu.vector_load_idx %arg11[%add3A_62, %add3A_247] : memref<256x128xf32, #tpu.memory_space<vmem>>[vector<16xi32>, vector<16xi32>], vector<16xf32>,
      %add3A_249 = arith.constant 16 : i32
      %add3A_250 = vector.broadcast %add3A_249 : i32 to vector<16xi32>
      %add3A_251 = arith.addi %mul3A_84, %add3A_250 : vector<16xi32>
      %gather3A_252 = tpu.vector_load_idx %arg12[%add3A_62, %add3A_251] : memref<256x128xf32, #tpu.memory_space<vmem>>[vector<16xi32>, vector<16xi32>], vector<16xf32>,
      %mul3A_253 = arith.mulf %gather3A_248, %gather3A_252 : vector<16xf32>
      %add3A_254 = arith.addf %add3A_244, %mul3A_253 : vector<16xf32>
      %add3A_255 = arith.constant 17 : i32
      %add3A_256 = vector.broadcast %add3A_255 : i32 to vector<16xi32>
      %add3A_257 = arith.addi %mul3A_78, %add3A_256 : vector<16xi32>
      %gather3A_258 = tpu.vector_load_idx %arg11[%add3A_62, %add3A_257] : memref<256x128xf32, #tpu.memory_space<vmem>>[vector<16xi32>, vector<16xi32>], vector<16xf32>,
      %add3A_259 = arith.constant 17 : i32
      %add3A_260 = vector.broadcast %add3A_259 : i32 to vector<16xi32>
      %add3A_261 = arith.addi %mul3A_84, %add3A_260 : vector<16xi32>
      %gather3A_262 = tpu.vector_load_idx %arg12[%add3A_62, %add3A_261] : memref<256x128xf32, #tpu.memory_space<vmem>>[vector<16xi32>, vector<16xi32>], vector<16xf32>,
      %mul3A_263 = arith.mulf %gather3A_258, %gather3A_262 : vector<16xf32>
      %add3A_264 = arith.addf %add3A_254, %mul3A_263 : vector<16xf32>
      %add3A_265 = arith.constant 18 : i32
      %add3A_266 = vector.broadcast %add3A_265 : i32 to vector<16xi32>
      %add3A_267 = arith.addi %mul3A_78, %add3A_266 : vector<16xi32>
      %gather3A_268 = tpu.vector_load_idx %arg11[%add3A_62, %add3A_267] : memref<256x128xf32, #tpu.memory_space<vmem>>[vector<16xi32>, vector<16xi32>], vector<16xf32>,
      %add3A_269 = arith.constant 18 : i32
      %add3A_270 = vector.broadcast %add3A_269 : i32 to vector<16xi32>
      %add3A_271 = arith.addi %mul3A_84, %add3A_270 : vector<16xi32>
      %gather3A_272 = tpu.vector_load_idx %arg12[%add3A_62, %add3A_271] : memref<256x128xf32, #tpu.memory_space<vmem>>[vector<16xi32>, vector<16xi32>], vector<16xf32>,
      %mul3A_273 = arith.mulf %gather3A_268, %gather3A_272 : vector<16xf32>
      %add3A_274 = arith.addf %add3A_264, %mul3A_273 : vector<16xf32>
      %add3A_275 = arith.constant 19 : i32
      %add3A_276 = vector.broadcast %add3A_275 : i32 to vector<16xi32>
      %add3A_277 = arith.addi %mul3A_78, %add3A_276 : vector<16xi32>
      %gather3A_278 = tpu.vector_load_idx %arg11[%add3A_62, %add3A_277] : memref<256x128xf32, #tpu.memory_space<vmem>>[vector<16xi32>, vector<16xi32>], vector<16xf32>,
      %add3A_279 = arith.constant 19 : i32
      %add3A_280 = vector.broadcast %add3A_279 : i32 to vector<16xi32>
      %add3A_281 = arith.addi %mul3A_84, %add3A_280 : vector<16xi32>
      %gather3A_282 = tpu.vector_load_idx %arg12[%add3A_62, %add3A_281] : memref<256x128xf32, #tpu.memory_space<vmem>>[vector<16xi32>, vector<16xi32>], vector<16xf32>,
      %mul3A_283 = arith.mulf %gather3A_278, %gather3A_282 : vector<16xf32>
      %add3A_284 = arith.addf %add3A_274, %mul3A_283 : vector<16xf32>
      %add3A_285 = arith.constant 20 : i32
      %add3A_286 = vector.broadcast %add3A_285 : i32 to vector<16xi32>
      %add3A_287 = arith.addi %mul3A_78, %add3A_286 : vector<16xi32>
      %gather3A_288 = tpu.vector_load_idx %arg11[%add3A_62, %add3A_287] : memref<256x128xf32, #tpu.memory_space<vmem>>[vector<16xi32>, vector<16xi32>], vector<16xf32>,
      %add3A_289 = arith.constant 20 : i32
      %add3A_290 = vector.broadcast %add3A_289 : i32 to vector<16xi32>
      %add3A_291 = arith.addi %mul3A_84, %add3A_290 : vector<16xi32>
      %gather3A_292 = tpu.vector_load_idx %arg12[%add3A_62, %add3A_291] : memref<256x128xf32, #tpu.memory_space<vmem>>[vector<16xi32>, vector<16xi32>], vector<16xf32>,
      %mul3A_293 = arith.mulf %gather3A_288, %gather3A_292 : vector<16xf32>
      %add3A_294 = arith.addf %add3A_284, %mul3A_293 : vector<16xf32>
      %add3A_295 = arith.constant 21 : i32
      %add3A_296 = vector.broadcast %add3A_295 : i32 to vector<16xi32>
      %add3A_297 = arith.addi %mul3A_78, %add3A_296 : vector<16xi32>
      %gather3A_298 = tpu.vector_load_idx %arg11[%add3A_62, %add3A_297] : memref<256x128xf32, #tpu.memory_space<vmem>>[vector<16xi32>, vector<16xi32>], vector<16xf32>,
      %add3A_299 = arith.constant 21 : i32
      %add3A_300 = vector.broadcast %add3A_299 : i32 to vector<16xi32>
      %add3A_301 = arith.addi %mul3A_84, %add3A_300 : vector<16xi32>
      %gather3A_302 = tpu.vector_load_idx %arg12[%add3A_62, %add3A_301] : memref<256x128xf32, #tpu.memory_space<vmem>>[vector<16xi32>, vector<16xi32>], vector<16xf32>,
      %mul3A_303 = arith.mulf %gather3A_298, %gather3A_302 : vector<16xf32>
      %add3A_304 = arith.addf %add3A_294, %mul3A_303 : vector<16xf32>
      %add3A_305 = arith.constant 22 : i32
      %add3A_306 = vector.broadcast %add3A_305 : i32 to vector<16xi32>
      %add3A_307 = arith.addi %mul3A_78, %add3A_306 : vector<16xi32>
      %gather3A_308 = tpu.vector_load_idx %arg11[%add3A_62, %add3A_307] : memref<256x128xf32, #tpu.memory_space<vmem>>[vector<16xi32>, vector<16xi32>], vector<16xf32>,
      %add3A_309 = arith.constant 22 : i32
      %add3A_310 = vector.broadcast %add3A_309 : i32 to vector<16xi32>
      %add3A_311 = arith.addi %mul3A_84, %add3A_310 : vector<16xi32>
      %gather3A_312 = tpu.vector_load_idx %arg12[%add3A_62, %add3A_311] : memref<256x128xf32, #tpu.memory_space<vmem>>[vector<16xi32>, vector<16xi32>], vector<16xf32>,
      %mul3A_313 = arith.mulf %gather3A_308, %gather3A_312 : vector<16xf32>
      %add3A_314 = arith.addf %add3A_304, %mul3A_313 : vector<16xf32>
      %add3A_315 = arith.constant 23 : i32
      %add3A_316 = vector.broadcast %add3A_315 : i32 to vector<16xi32>
      %add3A_317 = arith.addi %mul3A_78, %add3A_316 : vector<16xi32>
      %gather3A_318 = tpu.vector_load_idx %arg11[%add3A_62, %add3A_317] : memref<256x128xf32, #tpu.memory_space<vmem>>[vector<16xi32>, vector<16xi32>], vector<16xf32>,
      %add3A_319 = arith.constant 23 : i32
      %add3A_320 = vector.broadcast %add3A_319 : i32 to vector<16xi32>
      %add3A_321 = arith.addi %mul3A_84, %add3A_320 : vector<16xi32>
      %gather3A_322 = tpu.vector_load_idx %arg12[%add3A_62, %add3A_321] : memref<256x128xf32, #tpu.memory_space<vmem>>[vector<16xi32>, vector<16xi32>], vector<16xf32>,
      %mul3A_323 = arith.mulf %gather3A_318, %gather3A_322 : vector<16xf32>
      %add3A_324 = arith.addf %add3A_314, %mul3A_323 : vector<16xf32>
      %add3A_325 = arith.constant 24 : i32
      %add3A_326 = vector.broadcast %add3A_325 : i32 to vector<16xi32>
      %add3A_327 = arith.addi %mul3A_78, %add3A_326 : vector<16xi32>
      %gather3A_328 = tpu.vector_load_idx %arg11[%add3A_62, %add3A_327] : memref<256x128xf32, #tpu.memory_space<vmem>>[vector<16xi32>, vector<16xi32>], vector<16xf32>,
      %add3A_329 = arith.constant 24 : i32
      %add3A_330 = vector.broadcast %add3A_329 : i32 to vector<16xi32>
      %add3A_331 = arith.addi %mul3A_84, %add3A_330 : vector<16xi32>
      %gather3A_332 = tpu.vector_load_idx %arg12[%add3A_62, %add3A_331] : memref<256x128xf32, #tpu.memory_space<vmem>>[vector<16xi32>, vector<16xi32>], vector<16xf32>,
      %mul3A_333 = arith.mulf %gather3A_328, %gather3A_332 : vector<16xf32>
      %add3A_334 = arith.addf %add3A_324, %mul3A_333 : vector<16xf32>
      %add3A_335 = arith.constant 25 : i32
      %add3A_336 = vector.broadcast %add3A_335 : i32 to vector<16xi32>
      %add3A_337 = arith.addi %mul3A_78, %add3A_336 : vector<16xi32>
      %gather3A_338 = tpu.vector_load_idx %arg11[%add3A_62, %add3A_337] : memref<256x128xf32, #tpu.memory_space<vmem>>[vector<16xi32>, vector<16xi32>], vector<16xf32>,
      %add3A_339 = arith.constant 25 : i32
      %add3A_340 = vector.broadcast %add3A_339 : i32 to vector<16xi32>
      %add3A_341 = arith.addi %mul3A_84, %add3A_340 : vector<16xi32>
      %gather3A_342 = tpu.vector_load_idx %arg12[%add3A_62, %add3A_341] : memref<256x128xf32, #tpu.memory_space<vmem>>[vector<16xi32>, vector<16xi32>], vector<16xf32>,
      %mul3A_343 = arith.mulf %gather3A_338, %gather3A_342 : vector<16xf32>
      %add3A_344 = arith.addf %add3A_334, %mul3A_343 : vector<16xf32>
      %add3A_345 = arith.constant 26 : i32
      %add3A_346 = vector.broadcast %add3A_345 : i32 to vector<16xi32>
      %add3A_347 = arith.addi %mul3A_78, %add3A_346 : vector<16xi32>
      %gather3A_348 = tpu.vector_load_idx %arg11[%add3A_62, %add3A_347] : memref<256x128xf32, #tpu.memory_space<vmem>>[vector<16xi32>, vector<16xi32>], vector<16xf32>,
      %add3A_349 = arith.constant 26 : i32
      %add3A_350 = vector.broadcast %add3A_349 : i32 to vector<16xi32>
      %add3A_351 = arith.addi %mul3A_84, %add3A_350 : vector<16xi32>
      %gather3A_352 = tpu.vector_load_idx %arg12[%add3A_62, %add3A_351] : memref<256x128xf32, #tpu.memory_space<vmem>>[vector<16xi32>, vector<16xi32>], vector<16xf32>,
      %mul3A_353 = arith.mulf %gather3A_348, %gather3A_352 : vector<16xf32>
      %add3A_354 = arith.addf %add3A_344, %mul3A_353 : vector<16xf32>
      %add3A_355 = arith.constant 27 : i32
      %add3A_356 = vector.broadcast %add3A_355 : i32 to vector<16xi32>
      %add3A_357 = arith.addi %mul3A_78, %add3A_356 : vector<16xi32>
      %gather3A_358 = tpu.vector_load_idx %arg11[%add3A_62, %add3A_357] : memref<256x128xf32, #tpu.memory_space<vmem>>[vector<16xi32>, vector<16xi32>], vector<16xf32>,
      %add3A_359 = arith.constant 27 : i32
      %add3A_360 = vector.broadcast %add3A_359 : i32 to vector<16xi32>
      %add3A_361 = arith.addi %mul3A_84, %add3A_360 : vector<16xi32>
      %gather3A_362 = tpu.vector_load_idx %arg12[%add3A_62, %add3A_361] : memref<256x128xf32, #tpu.memory_space<vmem>>[vector<16xi32>, vector<16xi32>], vector<16xf32>,
      %mul3A_363 = arith.mulf %gather3A_358, %gather3A_362 : vector<16xf32>
      %add3A_364 = arith.addf %add3A_354, %mul3A_363 : vector<16xf32>
      %add3A_365 = arith.constant 28 : i32
      %add3A_366 = vector.broadcast %add3A_365 : i32 to vector<16xi32>
      %add3A_367 = arith.addi %mul3A_78, %add3A_366 : vector<16xi32>
      %gather3A_368 = tpu.vector_load_idx %arg11[%add3A_62, %add3A_367] : memref<256x128xf32, #tpu.memory_space<vmem>>[vector<16xi32>, vector<16xi32>], vector<16xf32>,
      %add3A_369 = arith.constant 28 : i32
      %add3A_370 = vector.broadcast %add3A_369 : i32 to vector<16xi32>
      %add3A_371 = arith.addi %mul3A_84, %add3A_370 : vector<16xi32>
      %gather3A_372 = tpu.vector_load_idx %arg12[%add3A_62, %add3A_371] : memref<256x128xf32, #tpu.memory_space<vmem>>[vector<16xi32>, vector<16xi32>], vector<16xf32>,
      %mul3A_373 = arith.mulf %gather3A_368, %gather3A_372 : vector<16xf32>
      %add3A_374 = arith.addf %add3A_364, %mul3A_373 : vector<16xf32>
      %add3A_375 = arith.constant 29 : i32
      %add3A_376 = vector.broadcast %add3A_375 : i32 to vector<16xi32>
      %add3A_377 = arith.addi %mul3A_78, %add3A_376 : vector<16xi32>
      %gather3A_378 = tpu.vector_load_idx %arg11[%add3A_62, %add3A_377] : memref<256x128xf32, #tpu.memory_space<vmem>>[vector<16xi32>, vector<16xi32>], vector<16xf32>,
      %add3A_379 = arith.constant 29 : i32
      %add3A_380 = vector.broadcast %add3A_379 : i32 to vector<16xi32>
      %add3A_381 = arith.addi %mul3A_84, %add3A_380 : vector<16xi32>
      %gather3A_382 = tpu.vector_load_idx %arg12[%add3A_62, %add3A_381] : memref<256x128xf32, #tpu.memory_space<vmem>>[vector<16xi32>, vector<16xi32>], vector<16xf32>,
      %mul3A_383 = arith.mulf %gather3A_378, %gather3A_382 : vector<16xf32>
      %add3A_384 = arith.addf %add3A_374, %mul3A_383 : vector<16xf32>
      %add3A_385 = arith.constant 30 : i32
      %add3A_386 = vector.broadcast %add3A_385 : i32 to vector<16xi32>
      %add3A_387 = arith.addi %mul3A_78, %add3A_386 : vector<16xi32>
      %gather3A_388 = tpu.vector_load_idx %arg11[%add3A_62, %add3A_387] : memref<256x128xf32, #tpu.memory_space<vmem>>[vector<16xi32>, vector<16xi32>], vector<16xf32>,
      %add3A_389 = arith.constant 30 : i32
      %add3A_390 = vector.broadcast %add3A_389 : i32 to vector<16xi32>
      %add3A_391 = arith.addi %mul3A_84, %add3A_390 : vector<16xi32>
      %gather3A_392 = tpu.vector_load_idx %arg12[%add3A_62, %add3A_391] : memref<256x128xf32, #tpu.memory_space<vmem>>[vector<16xi32>, vector<16xi32>], vector<16xf32>,
      %mul3A_393 = arith.mulf %gather3A_388, %gather3A_392 : vector<16xf32>
      %add3A_394 = arith.addf %add3A_384, %mul3A_393 : vector<16xf32>
      %add3A_395 = arith.constant 31 : i32
      %add3A_396 = vector.broadcast %add3A_395 : i32 to vector<16xi32>
      %add3A_397 = arith.addi %mul3A_78, %add3A_396 : vector<16xi32>
      %gather3A_398 = tpu.vector_load_idx %arg11[%add3A_62, %add3A_397] : memref<256x128xf32, #tpu.memory_space<vmem>>[vector<16xi32>, vector<16xi32>], vector<16xf32>,
      %add3A_399 = arith.constant 31 : i32
      %add3A_400 = vector.broadcast %add3A_399 : i32 to vector<16xi32>
      %add3A_401 = arith.addi %mul3A_84, %add3A_400 : vector<16xi32>
      %gather3A_402 = tpu.vector_load_idx %arg12[%add3A_62, %add3A_401] : memref<256x128xf32, #tpu.memory_space<vmem>>[vector<16xi32>, vector<16xi32>], vector<16xf32>,
      %mul3A_403 = arith.mulf %gather3A_398, %gather3A_402 : vector<16xf32>
      %add3A_404 = arith.addf %add3A_394, %mul3A_403 : vector<16xf32>
      %mul3A_405 = arith.constant 16 : i32
      %mul3A_406 = arith.muli %scan3A_58, %mul3A_405 : i32
      %add3A_407 = arith.constant 0 : i32
      %add3A_408 = arith.addi %add3A_407, %mul3A_406 : i32
      %swap3A = arith.index_cast %add3A_408 : i32 to index
      %swap3A_409 = tpu.vector_load %arg13[%swap3A] {strides = array<i32>} : memref<512xf32, #tpu.memory_space<vmem>>, vector<16xf32>,
      tpu.vector_store %arg13[%swap3A], %add3A_404 {strides = array<i32>} : memref<512xf32, #tpu.memory_space<vmem>>, vector<16xf32>,
    }
    %scan3A_31 = arith.constant 16 : i32
    %dma_start3A_32 = arith.constant 256 : i32
    %dma_start3A_33 = tpu.memref_slice %arg9[%dma_start3A_32] : memref<512xi32, #tpu.memory_space<vmem>> -> memref<256xi32, #tpu.memory_space<vmem>>
    %dma_start3A_34 = arith.constant 0 : i32
    %dma_start3A_35 = arith.constant 0 : i32
    %dma_start3A_36 = tpu.memref_slice %arg4[%dma_start3A_34, %dma_start3A_35] : memref<250000x128xf32, #tpu.memory_space<hbm>> -> memref<250000x128xf32, #tpu.memory_space<hbm>>
    tpu.enqueue_indirect_dma source(%dma_start3A_36 : memref<250000x128xf32, #tpu.memory_space<hbm>>) target(%arg11 : memref<256x128xf32, #tpu.memory_space<vmem>>) offsets(%dma_start3A_33 : memref<256xi32, #tpu.memory_space<vmem>>) semaphore(%arg14 : memref<!tpu.dma_semaphore, #tpu.memory_space<semaphore_mem>>)
    %dma_start3A_37 = arith.constant 256 : i32
    %dma_start3A_38 = tpu.memref_slice %arg10[%dma_start3A_37] : memref<512xi32, #tpu.memory_space<vmem>> -> memref<256xi32, #tpu.memory_space<vmem>>
    %dma_start3A_39 = arith.constant 0 : i32
    %dma_start3A_40 = arith.constant 0 : i32
    %dma_start3A_41 = tpu.memref_slice %arg5[%dma_start3A_39, %dma_start3A_40] : memref<25000x128xf32, #tpu.memory_space<hbm>> -> memref<25000x128xf32, #tpu.memory_space<hbm>>
    tpu.enqueue_indirect_dma source(%dma_start3A_41 : memref<25000x128xf32, #tpu.memory_space<hbm>>) target(%arg12 : memref<256x128xf32, #tpu.memory_space<vmem>>) offsets(%dma_start3A_38 : memref<256xi32, #tpu.memory_space<vmem>>) semaphore(%arg15 : memref<!tpu.dma_semaphore, #tpu.memory_space<semaphore_mem>>)
    %dma_wait3A_42 = arith.constant 256 : i32
    %dma_wait3A_43 = tpu.memref_slice %arg9[%dma_wait3A_42] : memref<512xi32, #tpu.memory_space<vmem>> -> memref<256xi32, #tpu.memory_space<vmem>>
    %dma_wait3A_44 = arith.constant 0 : i32
    %dma_wait3A_45 = arith.constant 0 : i32
    %dma_wait3A_46 = tpu.memref_slice %arg4[%dma_wait3A_44, %dma_wait3A_45] : memref<250000x128xf32, #tpu.memory_space<hbm>> -> memref<250000x128xf32, #tpu.memory_space<hbm>>
    tpu.wait_indirect_dma semaphore(%arg14 : memref<!tpu.dma_semaphore, #tpu.memory_space<semaphore_mem>>) src(%dma_wait3A_46 : memref<250000x128xf32, #tpu.memory_space<hbm>>) dst(%arg11 : memref<256x128xf32, #tpu.memory_space<vmem>>)
    %dma_wait3A_47 = arith.constant 256 : i32
    %dma_wait3A_48 = tpu.memref_slice %arg10[%dma_wait3A_47] : memref<512xi32, #tpu.memory_space<vmem>> -> memref<256xi32, #tpu.memory_space<vmem>>
    %dma_wait3A_49 = arith.constant 0 : i32
    %dma_wait3A_50 = arith.constant 0 : i32
    %dma_wait3A_51 = tpu.memref_slice %arg5[%dma_wait3A_49, %dma_wait3A_50] : memref<25000x128xf32, #tpu.memory_space<hbm>> -> memref<25000x128xf32, #tpu.memory_space<hbm>>
    tpu.wait_indirect_dma semaphore(%arg15 : memref<!tpu.dma_semaphore, #tpu.memory_space<semaphore_mem>>) src(%dma_wait3A_51 : memref<25000x128xf32, #tpu.memory_space<hbm>>) dst(%arg12 : memref<256x128xf32, #tpu.memory_space<vmem>>)
    %scan3A_52 = arith.constant 0 : i32
    %scan3A_53 = arith.constant 0 : i32
    %scan3A_54 = arith.constant 16 : i32
    %scan3A_55 = arith.addi %scan3A_53, %scan3A_54 : i32
    %scan3A_56 = arith.constant 1 : i32
    scf.for %scan3A_58 = %scan3A_53 to %scan3A_55 step %scan3A_56  : i32 {
      %mul3A_59 = arith.constant 16 : i32
      %mul3A_60 = arith.muli %scan3A_58, %mul3A_59 : i32
      %add3A_61 = vector.broadcast %mul3A_60 : i32 to vector<16xi32>
      %add3A_62 = arith.addi %add3A_61, %iota3A : vector<16xi32>
      %mul3A_63 = arith.constant 16 : i32
      %mul3A_64 = arith.muli %scan3A_58, %mul3A_63 : i32
      %add3A_65 = arith.constant 256 : i32
      %add3A_66 = arith.addi %add3A_65, %mul3A_64 : i32
      %get3A = arith.index_cast %add3A_66 : i32 to index
      %get3A_67 = tpu.vector_load %arg7[%get3A] {strides = array<i32>} : memref<512xi32, #tpu.memory_space<vmem>>, vector<16xi32>,
      %mul3A_68 = arith.constant 16 : i32
      %mul3A_69 = arith.muli %scan3A_58, %mul3A_68 : i32
      %add3A_70 = arith.constant 256 : i32
      %add3A_71 = arith.addi %add3A_70, %mul3A_69 : i32
      %get3A_72 = arith.index_cast %add3A_71 : i32 to index
      %get3A_73 = tpu.vector_load %arg8[%get3A_72] {strides = array<i32>} : memref<512xi32, #tpu.memory_space<vmem>>, vector<16xi32>,
      %and3A = arith.constant 3 : i32
      %and3A_74 = vector.broadcast %and3A : i32 to vector<16xi32>
      %and3A_75 = arith.andi %get3A_67, %and3A_74 : vector<16xi32>
      %mul3A_76 = arith.constant 32 : i32
      %mul3A_77 = vector.broadcast %mul3A_76 : i32 to vector<16xi32>
      %mul3A_78 = arith.muli %and3A_75, %mul3A_77 : vector<16xi32>
      %and3A_79 = arith.constant 3 : i32
      %and3A_80 = vector.broadcast %and3A_79 : i32 to vector<16xi32>
      %and3A_81 = arith.andi %get3A_73, %and3A_80 : vector<16xi32>
      %mul3A_82 = arith.constant 32 : i32
      %mul3A_83 = vector.broadcast %mul3A_82 : i32 to vector<16xi32>
      %mul3A_84 = arith.muli %and3A_81, %mul3A_83 : vector<16xi32>
      %broadcast_in_dim3A = arith.constant 0.000000e+00 : f32
      %broadcast_in_dim3A_85 = vector.broadcast %broadcast_in_dim3A : f32 to vector<16xf32>
      %add3A_86 = arith.constant 0 : i32
      %add3A_87 = vector.broadcast %add3A_86 : i32 to vector<16xi32>
      %add3A_88 = arith.addi %mul3A_78, %add3A_87 : vector<16xi32>
      %gather3A = tpu.vector_load_idx %arg11[%add3A_62, %add3A_88] : memref<256x128xf32, #tpu.memory_space<vmem>>[vector<16xi32>, vector<16xi32>], vector<16xf32>,
      %add3A_89 = arith.constant 0 : i32
      %add3A_90 = vector.broadcast %add3A_89 : i32 to vector<16xi32>
      %add3A_91 = arith.addi %mul3A_84, %add3A_90 : vector<16xi32>
      %gather3A_92 = tpu.vector_load_idx %arg12[%add3A_62, %add3A_91] : memref<256x128xf32, #tpu.memory_space<vmem>>[vector<16xi32>, vector<16xi32>], vector<16xf32>,
      %mul3A_93 = arith.mulf %gather3A, %gather3A_92 : vector<16xf32>
      %add3A_94 = arith.addf %broadcast_in_dim3A_85, %mul3A_93 : vector<16xf32>
      %add3A_95 = arith.constant 1 : i32
      %add3A_96 = vector.broadcast %add3A_95 : i32 to vector<16xi32>
      %add3A_97 = arith.addi %mul3A_78, %add3A_96 : vector<16xi32>
      %gather3A_98 = tpu.vector_load_idx %arg11[%add3A_62, %add3A_97] : memref<256x128xf32, #tpu.memory_space<vmem>>[vector<16xi32>, vector<16xi32>], vector<16xf32>,
      %add3A_99 = arith.constant 1 : i32
      %add3A_100 = vector.broadcast %add3A_99 : i32 to vector<16xi32>
      %add3A_101 = arith.addi %mul3A_84, %add3A_100 : vector<16xi32>
      %gather3A_102 = tpu.vector_load_idx %arg12[%add3A_62, %add3A_101] : memref<256x128xf32, #tpu.memory_space<vmem>>[vector<16xi32>, vector<16xi32>], vector<16xf32>,
      %mul3A_103 = arith.mulf %gather3A_98, %gather3A_102 : vector<16xf32>
      %add3A_104 = arith.addf %add3A_94, %mul3A_103 : vector<16xf32>
      %add3A_105 = arith.constant 2 : i32
      %add3A_106 = vector.broadcast %add3A_105 : i32 to vector<16xi32>
      %add3A_107 = arith.addi %mul3A_78, %add3A_106 : vector<16xi32>
      %gather3A_108 = tpu.vector_load_idx %arg11[%add3A_62, %add3A_107] : memref<256x128xf32, #tpu.memory_space<vmem>>[vector<16xi32>, vector<16xi32>], vector<16xf32>,
      %add3A_109 = arith.constant 2 : i32
      %add3A_110 = vector.broadcast %add3A_109 : i32 to vector<16xi32>
      %add3A_111 = arith.addi %mul3A_84, %add3A_110 : vector<16xi32>
      %gather3A_112 = tpu.vector_load_idx %arg12[%add3A_62, %add3A_111] : memref<256x128xf32, #tpu.memory_space<vmem>>[vector<16xi32>, vector<16xi32>], vector<16xf32>,
      %mul3A_113 = arith.mulf %gather3A_108, %gather3A_112 : vector<16xf32>
      %add3A_114 = arith.addf %add3A_104, %mul3A_113 : vector<16xf32>
      %add3A_115 = arith.constant 3 : i32
      %add3A_116 = vector.broadcast %add3A_115 : i32 to vector<16xi32>
      %add3A_117 = arith.addi %mul3A_78, %add3A_116 : vector<16xi32>
      %gather3A_118 = tpu.vector_load_idx %arg11[%add3A_62, %add3A_117] : memref<256x128xf32, #tpu.memory_space<vmem>>[vector<16xi32>, vector<16xi32>], vector<16xf32>,
      %add3A_119 = arith.constant 3 : i32
      %add3A_120 = vector.broadcast %add3A_119 : i32 to vector<16xi32>
      %add3A_121 = arith.addi %mul3A_84, %add3A_120 : vector<16xi32>
      %gather3A_122 = tpu.vector_load_idx %arg12[%add3A_62, %add3A_121] : memref<256x128xf32, #tpu.memory_space<vmem>>[vector<16xi32>, vector<16xi32>], vector<16xf32>,
      %mul3A_123 = arith.mulf %gather3A_118, %gather3A_122 : vector<16xf32>
      %add3A_124 = arith.addf %add3A_114, %mul3A_123 : vector<16xf32>
      %add3A_125 = arith.constant 4 : i32
      %add3A_126 = vector.broadcast %add3A_125 : i32 to vector<16xi32>
      %add3A_127 = arith.addi %mul3A_78, %add3A_126 : vector<16xi32>
      %gather3A_128 = tpu.vector_load_idx %arg11[%add3A_62, %add3A_127] : memref<256x128xf32, #tpu.memory_space<vmem>>[vector<16xi32>, vector<16xi32>], vector<16xf32>,
      %add3A_129 = arith.constant 4 : i32
      %add3A_130 = vector.broadcast %add3A_129 : i32 to vector<16xi32>
      %add3A_131 = arith.addi %mul3A_84, %add3A_130 : vector<16xi32>
      %gather3A_132 = tpu.vector_load_idx %arg12[%add3A_62, %add3A_131] : memref<256x128xf32, #tpu.memory_space<vmem>>[vector<16xi32>, vector<16xi32>], vector<16xf32>,
      %mul3A_133 = arith.mulf %gather3A_128, %gather3A_132 : vector<16xf32>
      %add3A_134 = arith.addf %add3A_124, %mul3A_133 : vector<16xf32>
      %add3A_135 = arith.constant 5 : i32
      %add3A_136 = vector.broadcast %add3A_135 : i32 to vector<16xi32>
      %add3A_137 = arith.addi %mul3A_78, %add3A_136 : vector<16xi32>
      %gather3A_138 = tpu.vector_load_idx %arg11[%add3A_62, %add3A_137] : memref<256x128xf32, #tpu.memory_space<vmem>>[vector<16xi32>, vector<16xi32>], vector<16xf32>,
      %add3A_139 = arith.constant 5 : i32
      %add3A_140 = vector.broadcast %add3A_139 : i32 to vector<16xi32>
      %add3A_141 = arith.addi %mul3A_84, %add3A_140 : vector<16xi32>
      %gather3A_142 = tpu.vector_load_idx %arg12[%add3A_62, %add3A_141] : memref<256x128xf32, #tpu.memory_space<vmem>>[vector<16xi32>, vector<16xi32>], vector<16xf32>,
      %mul3A_143 = arith.mulf %gather3A_138, %gather3A_142 : vector<16xf32>
      %add3A_144 = arith.addf %add3A_134, %mul3A_143 : vector<16xf32>
      %add3A_145 = arith.constant 6 : i32
      %add3A_146 = vector.broadcast %add3A_145 : i32 to vector<16xi32>
      %add3A_147 = arith.addi %mul3A_78, %add3A_146 : vector<16xi32>
      %gather3A_148 = tpu.vector_load_idx %arg11[%add3A_62, %add3A_147] : memref<256x128xf32, #tpu.memory_space<vmem>>[vector<16xi32>, vector<16xi32>], vector<16xf32>,
      %add3A_149 = arith.constant 6 : i32
      %add3A_150 = vector.broadcast %add3A_149 : i32 to vector<16xi32>
      %add3A_151 = arith.addi %mul3A_84, %add3A_150 : vector<16xi32>
      %gather3A_152 = tpu.vector_load_idx %arg12[%add3A_62, %add3A_151] : memref<256x128xf32, #tpu.memory_space<vmem>>[vector<16xi32>, vector<16xi32>], vector<16xf32>,
      %mul3A_153 = arith.mulf %gather3A_148, %gather3A_152 : vector<16xf32>
      %add3A_154 = arith.addf %add3A_144, %mul3A_153 : vector<16xf32>
      %add3A_155 = arith.constant 7 : i32
      %add3A_156 = vector.broadcast %add3A_155 : i32 to vector<16xi32>
      %add3A_157 = arith.addi %mul3A_78, %add3A_156 : vector<16xi32>
      %gather3A_158 = tpu.vector_load_idx %arg11[%add3A_62, %add3A_157] : memref<256x128xf32, #tpu.memory_space<vmem>>[vector<16xi32>, vector<16xi32>], vector<16xf32>,
      %add3A_159 = arith.constant 7 : i32
      %add3A_160 = vector.broadcast %add3A_159 : i32 to vector<16xi32>
      %add3A_161 = arith.addi %mul3A_84, %add3A_160 : vector<16xi32>
      %gather3A_162 = tpu.vector_load_idx %arg12[%add3A_62, %add3A_161] : memref<256x128xf32, #tpu.memory_space<vmem>>[vector<16xi32>, vector<16xi32>], vector<16xf32>,
      %mul3A_163 = arith.mulf %gather3A_158, %gather3A_162 : vector<16xf32>
      %add3A_164 = arith.addf %add3A_154, %mul3A_163 : vector<16xf32>
      %add3A_165 = arith.constant 8 : i32
      %add3A_166 = vector.broadcast %add3A_165 : i32 to vector<16xi32>
      %add3A_167 = arith.addi %mul3A_78, %add3A_166 : vector<16xi32>
      %gather3A_168 = tpu.vector_load_idx %arg11[%add3A_62, %add3A_167] : memref<256x128xf32, #tpu.memory_space<vmem>>[vector<16xi32>, vector<16xi32>], vector<16xf32>,
      %add3A_169 = arith.constant 8 : i32
      %add3A_170 = vector.broadcast %add3A_169 : i32 to vector<16xi32>
      %add3A_171 = arith.addi %mul3A_84, %add3A_170 : vector<16xi32>
      %gather3A_172 = tpu.vector_load_idx %arg12[%add3A_62, %add3A_171] : memref<256x128xf32, #tpu.memory_space<vmem>>[vector<16xi32>, vector<16xi32>], vector<16xf32>,
      %mul3A_173 = arith.mulf %gather3A_168, %gather3A_172 : vector<16xf32>
      %add3A_174 = arith.addf %add3A_164, %mul3A_173 : vector<16xf32>
      %add3A_175 = arith.constant 9 : i32
      %add3A_176 = vector.broadcast %add3A_175 : i32 to vector<16xi32>
      %add3A_177 = arith.addi %mul3A_78, %add3A_176 : vector<16xi32>
      %gather3A_178 = tpu.vector_load_idx %arg11[%add3A_62, %add3A_177] : memref<256x128xf32, #tpu.memory_space<vmem>>[vector<16xi32>, vector<16xi32>], vector<16xf32>,
      %add3A_179 = arith.constant 9 : i32
      %add3A_180 = vector.broadcast %add3A_179 : i32 to vector<16xi32>
      %add3A_181 = arith.addi %mul3A_84, %add3A_180 : vector<16xi32>
      %gather3A_182 = tpu.vector_load_idx %arg12[%add3A_62, %add3A_181] : memref<256x128xf32, #tpu.memory_space<vmem>>[vector<16xi32>, vector<16xi32>], vector<16xf32>,
      %mul3A_183 = arith.mulf %gather3A_178, %gather3A_182 : vector<16xf32>
      %add3A_184 = arith.addf %add3A_174, %mul3A_183 : vector<16xf32>
      %add3A_185 = arith.constant 10 : i32
      %add3A_186 = vector.broadcast %add3A_185 : i32 to vector<16xi32>
      %add3A_187 = arith.addi %mul3A_78, %add3A_186 : vector<16xi32>
      %gather3A_188 = tpu.vector_load_idx %arg11[%add3A_62, %add3A_187] : memref<256x128xf32, #tpu.memory_space<vmem>>[vector<16xi32>, vector<16xi32>], vector<16xf32>,
      %add3A_189 = arith.constant 10 : i32
      %add3A_190 = vector.broadcast %add3A_189 : i32 to vector<16xi32>
      %add3A_191 = arith.addi %mul3A_84, %add3A_190 : vector<16xi32>
      %gather3A_192 = tpu.vector_load_idx %arg12[%add3A_62, %add3A_191] : memref<256x128xf32, #tpu.memory_space<vmem>>[vector<16xi32>, vector<16xi32>], vector<16xf32>,
      %mul3A_193 = arith.mulf %gather3A_188, %gather3A_192 : vector<16xf32>
      %add3A_194 = arith.addf %add3A_184, %mul3A_193 : vector<16xf32>
      %add3A_195 = arith.constant 11 : i32
      %add3A_196 = vector.broadcast %add3A_195 : i32 to vector<16xi32>
      %add3A_197 = arith.addi %mul3A_78, %add3A_196 : vector<16xi32>
      %gather3A_198 = tpu.vector_load_idx %arg11[%add3A_62, %add3A_197] : memref<256x128xf32, #tpu.memory_space<vmem>>[vector<16xi32>, vector<16xi32>], vector<16xf32>,
      %add3A_199 = arith.constant 11 : i32
      %add3A_200 = vector.broadcast %add3A_199 : i32 to vector<16xi32>
      %add3A_201 = arith.addi %mul3A_84, %add3A_200 : vector<16xi32>
      %gather3A_202 = tpu.vector_load_idx %arg12[%add3A_62, %add3A_201] : memref<256x128xf32, #tpu.memory_space<vmem>>[vector<16xi32>, vector<16xi32>], vector<16xf32>,
      %mul3A_203 = arith.mulf %gather3A_198, %gather3A_202 : vector<16xf32>
      %add3A_204 = arith.addf %add3A_194, %mul3A_203 : vector<16xf32>
      %add3A_205 = arith.constant 12 : i32
      %add3A_206 = vector.broadcast %add3A_205 : i32 to vector<16xi32>
      %add3A_207 = arith.addi %mul3A_78, %add3A_206 : vector<16xi32>
      %gather3A_208 = tpu.vector_load_idx %arg11[%add3A_62, %add3A_207] : memref<256x128xf32, #tpu.memory_space<vmem>>[vector<16xi32>, vector<16xi32>], vector<16xf32>,
      %add3A_209 = arith.constant 12 : i32
      %add3A_210 = vector.broadcast %add3A_209 : i32 to vector<16xi32>
      %add3A_211 = arith.addi %mul3A_84, %add3A_210 : vector<16xi32>
      %gather3A_212 = tpu.vector_load_idx %arg12[%add3A_62, %add3A_211] : memref<256x128xf32, #tpu.memory_space<vmem>>[vector<16xi32>, vector<16xi32>], vector<16xf32>,
      %mul3A_213 = arith.mulf %gather3A_208, %gather3A_212 : vector<16xf32>
      %add3A_214 = arith.addf %add3A_204, %mul3A_213 : vector<16xf32>
      %add3A_215 = arith.constant 13 : i32
      %add3A_216 = vector.broadcast %add3A_215 : i32 to vector<16xi32>
      %add3A_217 = arith.addi %mul3A_78, %add3A_216 : vector<16xi32>
      %gather3A_218 = tpu.vector_load_idx %arg11[%add3A_62, %add3A_217] : memref<256x128xf32, #tpu.memory_space<vmem>>[vector<16xi32>, vector<16xi32>], vector<16xf32>,
      %add3A_219 = arith.constant 13 : i32
      %add3A_220 = vector.broadcast %add3A_219 : i32 to vector<16xi32>
      %add3A_221 = arith.addi %mul3A_84, %add3A_220 : vector<16xi32>
      %gather3A_222 = tpu.vector_load_idx %arg12[%add3A_62, %add3A_221] : memref<256x128xf32, #tpu.memory_space<vmem>>[vector<16xi32>, vector<16xi32>], vector<16xf32>,
      %mul3A_223 = arith.mulf %gather3A_218, %gather3A_222 : vector<16xf32>
      %add3A_224 = arith.addf %add3A_214, %mul3A_223 : vector<16xf32>
      %add3A_225 = arith.constant 14 : i32
      %add3A_226 = vector.broadcast %add3A_225 : i32 to vector<16xi32>
      %add3A_227 = arith.addi %mul3A_78, %add3A_226 : vector<16xi32>
      %gather3A_228 = tpu.vector_load_idx %arg11[%add3A_62, %add3A_227] : memref<256x128xf32, #tpu.memory_space<vmem>>[vector<16xi32>, vector<16xi32>], vector<16xf32>,
      %add3A_229 = arith.constant 14 : i32
      %add3A_230 = vector.broadcast %add3A_229 : i32 to vector<16xi32>
      %add3A_231 = arith.addi %mul3A_84, %add3A_230 : vector<16xi32>
      %gather3A_232 = tpu.vector_load_idx %arg12[%add3A_62, %add3A_231] : memref<256x128xf32, #tpu.memory_space<vmem>>[vector<16xi32>, vector<16xi32>], vector<16xf32>,
      %mul3A_233 = arith.mulf %gather3A_228, %gather3A_232 : vector<16xf32>
      %add3A_234 = arith.addf %add3A_224, %mul3A_233 : vector<16xf32>
      %add3A_235 = arith.constant 15 : i32
      %add3A_236 = vector.broadcast %add3A_235 : i32 to vector<16xi32>
      %add3A_237 = arith.addi %mul3A_78, %add3A_236 : vector<16xi32>
      %gather3A_238 = tpu.vector_load_idx %arg11[%add3A_62, %add3A_237] : memref<256x128xf32, #tpu.memory_space<vmem>>[vector<16xi32>, vector<16xi32>], vector<16xf32>,
      %add3A_239 = arith.constant 15 : i32
      %add3A_240 = vector.broadcast %add3A_239 : i32 to vector<16xi32>
      %add3A_241 = arith.addi %mul3A_84, %add3A_240 : vector<16xi32>
      %gather3A_242 = tpu.vector_load_idx %arg12[%add3A_62, %add3A_241] : memref<256x128xf32, #tpu.memory_space<vmem>>[vector<16xi32>, vector<16xi32>], vector<16xf32>,
      %mul3A_243 = arith.mulf %gather3A_238, %gather3A_242 : vector<16xf32>
      %add3A_244 = arith.addf %add3A_234, %mul3A_243 : vector<16xf32>
      %add3A_245 = arith.constant 16 : i32
      %add3A_246 = vector.broadcast %add3A_245 : i32 to vector<16xi32>
      %add3A_247 = arith.addi %mul3A_78, %add3A_246 : vector<16xi32>
      %gather3A_248 = tpu.vector_load_idx %arg11[%add3A_62, %add3A_247] : memref<256x128xf32, #tpu.memory_space<vmem>>[vector<16xi32>, vector<16xi32>], vector<16xf32>,
      %add3A_249 = arith.constant 16 : i32
      %add3A_250 = vector.broadcast %add3A_249 : i32 to vector<16xi32>
      %add3A_251 = arith.addi %mul3A_84, %add3A_250 : vector<16xi32>
      %gather3A_252 = tpu.vector_load_idx %arg12[%add3A_62, %add3A_251] : memref<256x128xf32, #tpu.memory_space<vmem>>[vector<16xi32>, vector<16xi32>], vector<16xf32>,
      %mul3A_253 = arith.mulf %gather3A_248, %gather3A_252 : vector<16xf32>
      %add3A_254 = arith.addf %add3A_244, %mul3A_253 : vector<16xf32>
      %add3A_255 = arith.constant 17 : i32
      %add3A_256 = vector.broadcast %add3A_255 : i32 to vector<16xi32>
      %add3A_257 = arith.addi %mul3A_78, %add3A_256 : vector<16xi32>
      %gather3A_258 = tpu.vector_load_idx %arg11[%add3A_62, %add3A_257] : memref<256x128xf32, #tpu.memory_space<vmem>>[vector<16xi32>, vector<16xi32>], vector<16xf32>,
      %add3A_259 = arith.constant 17 : i32
      %add3A_260 = vector.broadcast %add3A_259 : i32 to vector<16xi32>
      %add3A_261 = arith.addi %mul3A_84, %add3A_260 : vector<16xi32>
      %gather3A_262 = tpu.vector_load_idx %arg12[%add3A_62, %add3A_261] : memref<256x128xf32, #tpu.memory_space<vmem>>[vector<16xi32>, vector<16xi32>], vector<16xf32>,
      %mul3A_263 = arith.mulf %gather3A_258, %gather3A_262 : vector<16xf32>
      %add3A_264 = arith.addf %add3A_254, %mul3A_263 : vector<16xf32>
      %add3A_265 = arith.constant 18 : i32
      %add3A_266 = vector.broadcast %add3A_265 : i32 to vector<16xi32>
      %add3A_267 = arith.addi %mul3A_78, %add3A_266 : vector<16xi32>
      %gather3A_268 = tpu.vector_load_idx %arg11[%add3A_62, %add3A_267] : memref<256x128xf32, #tpu.memory_space<vmem>>[vector<16xi32>, vector<16xi32>], vector<16xf32>,
      %add3A_269 = arith.constant 18 : i32
      %add3A_270 = vector.broadcast %add3A_269 : i32 to vector<16xi32>
      %add3A_271 = arith.addi %mul3A_84, %add3A_270 : vector<16xi32>
      %gather3A_272 = tpu.vector_load_idx %arg12[%add3A_62, %add3A_271] : memref<256x128xf32, #tpu.memory_space<vmem>>[vector<16xi32>, vector<16xi32>], vector<16xf32>,
      %mul3A_273 = arith.mulf %gather3A_268, %gather3A_272 : vector<16xf32>
      %add3A_274 = arith.addf %add3A_264, %mul3A_273 : vector<16xf32>
      %add3A_275 = arith.constant 19 : i32
      %add3A_276 = vector.broadcast %add3A_275 : i32 to vector<16xi32>
      %add3A_277 = arith.addi %mul3A_78, %add3A_276 : vector<16xi32>
      %gather3A_278 = tpu.vector_load_idx %arg11[%add3A_62, %add3A_277] : memref<256x128xf32, #tpu.memory_space<vmem>>[vector<16xi32>, vector<16xi32>], vector<16xf32>,
      %add3A_279 = arith.constant 19 : i32
      %add3A_280 = vector.broadcast %add3A_279 : i32 to vector<16xi32>
      %add3A_281 = arith.addi %mul3A_84, %add3A_280 : vector<16xi32>
      %gather3A_282 = tpu.vector_load_idx %arg12[%add3A_62, %add3A_281] : memref<256x128xf32, #tpu.memory_space<vmem>>[vector<16xi32>, vector<16xi32>], vector<16xf32>,
      %mul3A_283 = arith.mulf %gather3A_278, %gather3A_282 : vector<16xf32>
      %add3A_284 = arith.addf %add3A_274, %mul3A_283 : vector<16xf32>
      %add3A_285 = arith.constant 20 : i32
      %add3A_286 = vector.broadcast %add3A_285 : i32 to vector<16xi32>
      %add3A_287 = arith.addi %mul3A_78, %add3A_286 : vector<16xi32>
      %gather3A_288 = tpu.vector_load_idx %arg11[%add3A_62, %add3A_287] : memref<256x128xf32, #tpu.memory_space<vmem>>[vector<16xi32>, vector<16xi32>], vector<16xf32>,
      %add3A_289 = arith.constant 20 : i32
      %add3A_290 = vector.broadcast %add3A_289 : i32 to vector<16xi32>
      %add3A_291 = arith.addi %mul3A_84, %add3A_290 : vector<16xi32>
      %gather3A_292 = tpu.vector_load_idx %arg12[%add3A_62, %add3A_291] : memref<256x128xf32, #tpu.memory_space<vmem>>[vector<16xi32>, vector<16xi32>], vector<16xf32>,
      %mul3A_293 = arith.mulf %gather3A_288, %gather3A_292 : vector<16xf32>
      %add3A_294 = arith.addf %add3A_284, %mul3A_293 : vector<16xf32>
      %add3A_295 = arith.constant 21 : i32
      %add3A_296 = vector.broadcast %add3A_295 : i32 to vector<16xi32>
      %add3A_297 = arith.addi %mul3A_78, %add3A_296 : vector<16xi32>
      %gather3A_298 = tpu.vector_load_idx %arg11[%add3A_62, %add3A_297] : memref<256x128xf32, #tpu.memory_space<vmem>>[vector<16xi32>, vector<16xi32>], vector<16xf32>,
      %add3A_299 = arith.constant 21 : i32
      %add3A_300 = vector.broadcast %add3A_299 : i32 to vector<16xi32>
      %add3A_301 = arith.addi %mul3A_84, %add3A_300 : vector<16xi32>
      %gather3A_302 = tpu.vector_load_idx %arg12[%add3A_62, %add3A_301] : memref<256x128xf32, #tpu.memory_space<vmem>>[vector<16xi32>, vector<16xi32>], vector<16xf32>,
      %mul3A_303 = arith.mulf %gather3A_298, %gather3A_302 : vector<16xf32>
      %add3A_304 = arith.addf %add3A_294, %mul3A_303 : vector<16xf32>
      %add3A_305 = arith.constant 22 : i32
      %add3A_306 = vector.broadcast %add3A_305 : i32 to vector<16xi32>
      %add3A_307 = arith.addi %mul3A_78, %add3A_306 : vector<16xi32>
      %gather3A_308 = tpu.vector_load_idx %arg11[%add3A_62, %add3A_307] : memref<256x128xf32, #tpu.memory_space<vmem>>[vector<16xi32>, vector<16xi32>], vector<16xf32>,
      %add3A_309 = arith.constant 22 : i32
      %add3A_310 = vector.broadcast %add3A_309 : i32 to vector<16xi32>
      %add3A_311 = arith.addi %mul3A_84, %add3A_310 : vector<16xi32>
      %gather3A_312 = tpu.vector_load_idx %arg12[%add3A_62, %add3A_311] : memref<256x128xf32, #tpu.memory_space<vmem>>[vector<16xi32>, vector<16xi32>], vector<16xf32>,
      %mul3A_313 = arith.mulf %gather3A_308, %gather3A_312 : vector<16xf32>
      %add3A_314 = arith.addf %add3A_304, %mul3A_313 : vector<16xf32>
      %add3A_315 = arith.constant 23 : i32
      %add3A_316 = vector.broadcast %add3A_315 : i32 to vector<16xi32>
      %add3A_317 = arith.addi %mul3A_78, %add3A_316 : vector<16xi32>
      %gather3A_318 = tpu.vector_load_idx %arg11[%add3A_62, %add3A_317] : memref<256x128xf32, #tpu.memory_space<vmem>>[vector<16xi32>, vector<16xi32>], vector<16xf32>,
      %add3A_319 = arith.constant 23 : i32
      %add3A_320 = vector.broadcast %add3A_319 : i32 to vector<16xi32>
      %add3A_321 = arith.addi %mul3A_84, %add3A_320 : vector<16xi32>
      %gather3A_322 = tpu.vector_load_idx %arg12[%add3A_62, %add3A_321] : memref<256x128xf32, #tpu.memory_space<vmem>>[vector<16xi32>, vector<16xi32>], vector<16xf32>,
      %mul3A_323 = arith.mulf %gather3A_318, %gather3A_322 : vector<16xf32>
      %add3A_324 = arith.addf %add3A_314, %mul3A_323 : vector<16xf32>
      %add3A_325 = arith.constant 24 : i32
      %add3A_326 = vector.broadcast %add3A_325 : i32 to vector<16xi32>
      %add3A_327 = arith.addi %mul3A_78, %add3A_326 : vector<16xi32>
      %gather3A_328 = tpu.vector_load_idx %arg11[%add3A_62, %add3A_327] : memref<256x128xf32, #tpu.memory_space<vmem>>[vector<16xi32>, vector<16xi32>], vector<16xf32>,
      %add3A_329 = arith.constant 24 : i32
      %add3A_330 = vector.broadcast %add3A_329 : i32 to vector<16xi32>
      %add3A_331 = arith.addi %mul3A_84, %add3A_330 : vector<16xi32>
      %gather3A_332 = tpu.vector_load_idx %arg12[%add3A_62, %add3A_331] : memref<256x128xf32, #tpu.memory_space<vmem>>[vector<16xi32>, vector<16xi32>], vector<16xf32>,
      %mul3A_333 = arith.mulf %gather3A_328, %gather3A_332 : vector<16xf32>
      %add3A_334 = arith.addf %add3A_324, %mul3A_333 : vector<16xf32>
      %add3A_335 = arith.constant 25 : i32
      %add3A_336 = vector.broadcast %add3A_335 : i32 to vector<16xi32>
      %add3A_337 = arith.addi %mul3A_78, %add3A_336 : vector<16xi32>
      %gather3A_338 = tpu.vector_load_idx %arg11[%add3A_62, %add3A_337] : memref<256x128xf32, #tpu.memory_space<vmem>>[vector<16xi32>, vector<16xi32>], vector<16xf32>,
      %add3A_339 = arith.constant 25 : i32
      %add3A_340 = vector.broadcast %add3A_339 : i32 to vector<16xi32>
      %add3A_341 = arith.addi %mul3A_84, %add3A_340 : vector<16xi32>
      %gather3A_342 = tpu.vector_load_idx %arg12[%add3A_62, %add3A_341] : memref<256x128xf32, #tpu.memory_space<vmem>>[vector<16xi32>, vector<16xi32>], vector<16xf32>,
      %mul3A_343 = arith.mulf %gather3A_338, %gather3A_342 : vector<16xf32>
      %add3A_344 = arith.addf %add3A_334, %mul3A_343 : vector<16xf32>
      %add3A_345 = arith.constant 26 : i32
      %add3A_346 = vector.broadcast %add3A_345 : i32 to vector<16xi32>
      %add3A_347 = arith.addi %mul3A_78, %add3A_346 : vector<16xi32>
      %gather3A_348 = tpu.vector_load_idx %arg11[%add3A_62, %add3A_347] : memref<256x128xf32, #tpu.memory_space<vmem>>[vector<16xi32>, vector<16xi32>], vector<16xf32>,
      %add3A_349 = arith.constant 26 : i32
      %add3A_350 = vector.broadcast %add3A_349 : i32 to vector<16xi32>
      %add3A_351 = arith.addi %mul3A_84, %add3A_350 : vector<16xi32>
      %gather3A_352 = tpu.vector_load_idx %arg12[%add3A_62, %add3A_351] : memref<256x128xf32, #tpu.memory_space<vmem>>[vector<16xi32>, vector<16xi32>], vector<16xf32>,
      %mul3A_353 = arith.mulf %gather3A_348, %gather3A_352 : vector<16xf32>
      %add3A_354 = arith.addf %add3A_344, %mul3A_353 : vector<16xf32>
      %add3A_355 = arith.constant 27 : i32
      %add3A_356 = vector.broadcast %add3A_355 : i32 to vector<16xi32>
      %add3A_357 = arith.addi %mul3A_78, %add3A_356 : vector<16xi32>
      %gather3A_358 = tpu.vector_load_idx %arg11[%add3A_62, %add3A_357] : memref<256x128xf32, #tpu.memory_space<vmem>>[vector<16xi32>, vector<16xi32>], vector<16xf32>,
      %add3A_359 = arith.constant 27 : i32
      %add3A_360 = vector.broadcast %add3A_359 : i32 to vector<16xi32>
      %add3A_361 = arith.addi %mul3A_84, %add3A_360 : vector<16xi32>
      %gather3A_362 = tpu.vector_load_idx %arg12[%add3A_62, %add3A_361] : memref<256x128xf32, #tpu.memory_space<vmem>>[vector<16xi32>, vector<16xi32>], vector<16xf32>,
      %mul3A_363 = arith.mulf %gather3A_358, %gather3A_362 : vector<16xf32>
      %add3A_364 = arith.addf %add3A_354, %mul3A_363 : vector<16xf32>
      %add3A_365 = arith.constant 28 : i32
      %add3A_366 = vector.broadcast %add3A_365 : i32 to vector<16xi32>
      %add3A_367 = arith.addi %mul3A_78, %add3A_366 : vector<16xi32>
      %gather3A_368 = tpu.vector_load_idx %arg11[%add3A_62, %add3A_367] : memref<256x128xf32, #tpu.memory_space<vmem>>[vector<16xi32>, vector<16xi32>], vector<16xf32>,
      %add3A_369 = arith.constant 28 : i32
      %add3A_370 = vector.broadcast %add3A_369 : i32 to vector<16xi32>
      %add3A_371 = arith.addi %mul3A_84, %add3A_370 : vector<16xi32>
      %gather3A_372 = tpu.vector_load_idx %arg12[%add3A_62, %add3A_371] : memref<256x128xf32, #tpu.memory_space<vmem>>[vector<16xi32>, vector<16xi32>], vector<16xf32>,
      %mul3A_373 = arith.mulf %gather3A_368, %gather3A_372 : vector<16xf32>
      %add3A_374 = arith.addf %add3A_364, %mul3A_373 : vector<16xf32>
      %add3A_375 = arith.constant 29 : i32
      %add3A_376 = vector.broadcast %add3A_375 : i32 to vector<16xi32>
      %add3A_377 = arith.addi %mul3A_78, %add3A_376 : vector<16xi32>
      %gather3A_378 = tpu.vector_load_idx %arg11[%add3A_62, %add3A_377] : memref<256x128xf32, #tpu.memory_space<vmem>>[vector<16xi32>, vector<16xi32>], vector<16xf32>,
      %add3A_379 = arith.constant 29 : i32
      %add3A_380 = vector.broadcast %add3A_379 : i32 to vector<16xi32>
      %add3A_381 = arith.addi %mul3A_84, %add3A_380 : vector<16xi32>
      %gather3A_382 = tpu.vector_load_idx %arg12[%add3A_62, %add3A_381] : memref<256x128xf32, #tpu.memory_space<vmem>>[vector<16xi32>, vector<16xi32>], vector<16xf32>,
      %mul3A_383 = arith.mulf %gather3A_378, %gather3A_382 : vector<16xf32>
      %add3A_384 = arith.addf %add3A_374, %mul3A_383 : vector<16xf32>
      %add3A_385 = arith.constant 30 : i32
      %add3A_386 = vector.broadcast %add3A_385 : i32 to vector<16xi32>
      %add3A_387 = arith.addi %mul3A_78, %add3A_386 : vector<16xi32>
      %gather3A_388 = tpu.vector_load_idx %arg11[%add3A_62, %add3A_387] : memref<256x128xf32, #tpu.memory_space<vmem>>[vector<16xi32>, vector<16xi32>], vector<16xf32>,
      %add3A_389 = arith.constant 30 : i32
      %add3A_390 = vector.broadcast %add3A_389 : i32 to vector<16xi32>
      %add3A_391 = arith.addi %mul3A_84, %add3A_390 : vector<16xi32>
      %gather3A_392 = tpu.vector_load_idx %arg12[%add3A_62, %add3A_391] : memref<256x128xf32, #tpu.memory_space<vmem>>[vector<16xi32>, vector<16xi32>], vector<16xf32>,
      %mul3A_393 = arith.mulf %gather3A_388, %gather3A_392 : vector<16xf32>
      %add3A_394 = arith.addf %add3A_384, %mul3A_393 : vector<16xf32>
      %add3A_395 = arith.constant 31 : i32
      %add3A_396 = vector.broadcast %add3A_395 : i32 to vector<16xi32>
      %add3A_397 = arith.addi %mul3A_78, %add3A_396 : vector<16xi32>
      %gather3A_398 = tpu.vector_load_idx %arg11[%add3A_62, %add3A_397] : memref<256x128xf32, #tpu.memory_space<vmem>>[vector<16xi32>, vector<16xi32>], vector<16xf32>,
      %add3A_399 = arith.constant 31 : i32
      %add3A_400 = vector.broadcast %add3A_399 : i32 to vector<16xi32>
      %add3A_401 = arith.addi %mul3A_84, %add3A_400 : vector<16xi32>
      %gather3A_402 = tpu.vector_load_idx %arg12[%add3A_62, %add3A_401] : memref<256x128xf32, #tpu.memory_space<vmem>>[vector<16xi32>, vector<16xi32>], vector<16xf32>,
      %mul3A_403 = arith.mulf %gather3A_398, %gather3A_402 : vector<16xf32>
      %add3A_404 = arith.addf %add3A_394, %mul3A_403 : vector<16xf32>
      %mul3A_405 = arith.constant 16 : i32
      %mul3A_406 = arith.muli %scan3A_58, %mul3A_405 : i32
      %add3A_407 = arith.constant 256 : i32
      %add3A_408 = arith.addi %add3A_407, %mul3A_406 : i32
      %swap3A = arith.index_cast %add3A_408 : i32 to index
      %swap3A_409 = tpu.vector_load %arg13[%swap3A] {strides = array<i32>} : memref<512xf32, #tpu.memory_space<vmem>>, vector<16xf32>,
      tpu.vector_store %arg13[%swap3A], %add3A_404 {strides = array<i32>} : memref<512xf32, #tpu.memory_space<vmem>>, vector<16xf32>,
    }
    %scan3A_57 = arith.constant 16 : i32
    "tpu.region"() ({
      %run_scoped3A = tpu.sem_alloc : memref<!tpu.dma_semaphore, #tpu.memory_space<semaphore_mem>>
      %dma_start3A_58 = tpu.memref_slice %arg6[%mul3A_2] : memref<16384xf32, #tpu.memory_space<hbm>> -> memref<512xf32, #tpu.memory_space<hbm>>
      %dma_start3A_59 = tpu.memref_slice %arg6[%mul3A_2] : memref<16384xf32, #tpu.memory_space<hbm>> -> memref<512xf32, #tpu.memory_space<hbm>>
      tpu.enqueue_dma source(%arg13 : memref<512xf32, #tpu.memory_space<vmem>>) target(%dma_start3A_59 : memref<512xf32, #tpu.memory_space<hbm>>) target_semaphore(%run_scoped3A : memref<!tpu.dma_semaphore, #tpu.memory_space<semaphore_mem>>)
      %dma_wait3A_60 = tpu.memref_slice %arg6[%mul3A_2] : memref<16384xf32, #tpu.memory_space<hbm>> -> memref<512xf32, #tpu.memory_space<hbm>>
      %dma_wait3A_61 = tpu.memref_slice %arg6[%mul3A_2] : memref<16384xf32, #tpu.memory_space<hbm>> -> memref<512xf32, #tpu.memory_space<hbm>>
      tpu.wait_dma2 semaphore(%run_scoped3A : memref<!tpu.dma_semaphore, #tpu.memory_space<semaphore_mem>>) src(%arg13 : memref<512xf32, #tpu.memory_space<vmem>>) dst(%dma_wait3A_61 : memref<512xf32, #tpu.memory_space<hbm>>)
      tpu.yield
    }) : () -> ()
    return
  }
}

</mosaic_0001>

<sc_bundles>
// kernel: kernel.3.cloned.1.call-start
scs
__scs_entry_jumppad:
0x0: {  	(pc) =	sbr.rel $0x88, $3  }
0x1: {  	(tag) =	ssettag $0x0;
	lr =	simm.s32 $0x1  }
0x2: {  	[smem:$0x3F9D] =	sst lr;
	_ =	strace $0xD0000000  }
0x3: {  	_ = 	snop  }
0x4: {  	_ = 	snop  }
0x5: {  	_ = 	snop  }
0x6: {  	_ = 	snop  }
0x7: {  	_ = 	snop  }
__scs_overlays_trampoline_lowered:
0x8: {  	[smem:$0x3FAC] =	sst s0  }
0x9: {  	[smem:$0x3FAD] =	sst s1  }
0xa: {  	[smem:$0x3FAE] =	sst s2  }
0xb: {  	[smem:$0x3FAF] =	sst s3  }
0xc: {  	[smem:$0x3FB0] =	sst s4  }
0xd: {  	[smem:$0x3FB1] =	sst s5  }
0xe: {  	[smem:$0x3FB2] =	sst s6  }
0xf: {  	[smem:$0x3FB3] =	sst s7  }
0x10: {  	[smem:$0x3FB4] =	sst s8  }
0x11: {  	[smem:$0x3FB5] =	sst s9;
	s0 =	simm.s32 @!p0 $0x0  }
0x12: {  	s1 =	sld [smem:$0x3F9B];
	s0 =	simm.s32 @p0 $0x1  }
0x13: {  	[smem:$0x3FB6] =	sst s0;
	s0 =	simm.s32 @!p1 $0x0  }
0x14: {  	s2 =	sld [smem:$0x3F9A];
	s0 =	simm.s32 @p1 $0x1  }
0x15: {  	[smem:$0x3FB7] =	sst s0;
	s0 =	simm.s32 @!p2 $0x0  }
0x16: {  	s3 =	sld [smem:$0x3FDB];
	s0 =	simm.s32 @p2 $0x1  }
0x17: {  	s4 =	simm.s32 $0x1BF5;
	[smem:$0x3FB9] =	sst s0  }
0x18: {  	s0 =	sld [smem:$0x3F9C];
	_ =	swait.ge [sflag:s4], $0x0  }
0x19: {  	s7 =	sld [smem:$0x3F9D]  }
0x1a: {  	s8 =	sadd.s32 $0xFFFFE003, lr  }
0x1b: {  	s9 =	sadd.s32 $0xFFFFFEF7, lr;
	s5 =	simm.s32 $0xFFFFFFFF;
	p2 =	slt.u32 s8, $0xFFFFF086  }
0x1c: {  	p1 =	slt.u32 s9, $0xF7A;
	s5 =	simm.s32 @!p2 $0x0  }
0x1d: {  	s5 =	simm.s32 @p1 $0x1;
	p0 =	seq.s32 s7, s2  }
0x1e: {  	s7 =	smul.u32 @!p0 $0xF7A, s2;
	p2 =	seq.s32 @!p0 s5, $0x0  }
0x1f: {  	s9 =	smul.u32 $0xF7A, s1;
	s8 =	simm.s32 @!p0 $0x1BF5;
	p2 =	por !p2, p0  }
0x20: {  	[sflag:s8] =	ssyncset.s32 @!p0 $0xFFFFF086;
	s6 =	sadd.s32 @!p0 s3, s7;
	s7 =	simm.s32 @!p0 $0x108  }
0x21: {  	s3 =	sadd.s32 s3, s9;
	s6 =	sadd.s32 @!p0 $0x88, s6;
	s7 =	simm.s32 @p2 $0x1082  }
0x22: {  	[simem:s7], [sflag:s8] =	dma.local @!p0 [hbm:s6], $0xF7A  }
0x23: {  	s9 =	sor.u32 $0xD0000000, s2;
	s6 =	simm.s32 $0x108;
	_ =	swait.ge @!p0 [sflag:s8], $0x0  }
0x24: {  	s3 =	sadd.s32 $0x88, s3;
	s6 =	simm.s32 @!p1 $0x1082;
	[sflag:s4] =	ssyncset.s32 $0xFFFFF086  }
0x25: {  	[simem:s6], [sflag:s4] =	dma.local [hbm:s3], $0xF7A  }
0x26: {  	[smem:$0x3F9D] =	sst s1;
	(tag) =	ssettag s2;
	_ =	strace s9  }
0x27: {  	s1 =	sld [smem:$0x3FAD]  }
0x28: {  	s2 =	sld [smem:$0x3FAE]  }
0x29: {  	s4 =	sld [smem:$0x3FB0]  }
0x2a: {  	p0 =	seq.s32 s5, $0x0;
	s5 =	sld [smem:$0x3FB1]  }
0x2b: {  	s6 =	sld [smem:$0x3FB2]  }
0x2c: {  	s7 =	sld [smem:$0x3FB3]  }
0x2d: {  	s3 =	simm.s32 $0x108;
	s8 =	sld [smem:$0x3FB4]  }
0x2e: {  	s3 =	simm.s32 @!p0 $0x1082;
	s9 =	sld [smem:$0x3FB5]  }
0x2f: {  	lr =	sadd.s32 s0, s3;
	s0 =	sld [smem:$0x3FAC]  }
0x30: {  	s3 =	sld [smem:$0x3FAF]  }
0x31: {  	[smem:$0x3FB8] =	sst s10  }
0x32: {  	s10 =	sld [smem:$0x3FB6];
	_ =	sdelay $0x3  }
0x33: {  	p0 =	seq.s32 s10, $0x1;
	s10 =	sld [smem:$0x3FB8];
	_ =	sdelay $0x3  }
0x34: {  	[smem:$0x3FB8] =	sst s10  }
0x35: {  	s10 =	sld [smem:$0x3FB7];
	_ =	sdelay $0x3  }
0x36: {  	p1 =	seq.s32 s10, $0x1;
	s10 =	sld [smem:$0x3FB8];
	_ =	sdelay $0x3  }
0x37: {  	[smem:$0x3FB8] =	sst s10  }
0x38: {  	s10 =	sld [smem:$0x3FB9]  }
0x39: {  	_ = 	snop;
	(pc) =	sbr.ind lr, $3  }
0x3a: {  	_ = 	snop  }
0x3b: {  	_ = 	snop  }
0x3c: {  	p2 =	seq.s32 s10, $0x1;
	s10 =	sld [smem:$0x3FB8]  }
0x3d: {  	_ =	shalt  }
0x3e: {  	_ =	shalt  }
0x3f: {  	_ =	shalt  }
0x40: {  	_ =	shalt  }
0x41: {  	_ =	shalt  }
0x42: {  	_ =	shalt  }
0x43: {  	_ =	shalt  }
0x44: {  	_ =	shalt  }
0x45: {  	_ =	shalt  }
0x46: {  	_ =	shalt  }
0x47: {  	_ =	shalt  }
0x48: {  	_ =	shalt  }
0x49: {  	_ =	shalt  }
0x4a: {  	_ =	shalt  }
0x4b: {  	_ =	shalt  }
0x4c: {  	_ =	shalt  }
0x4d: {  	_ =	shalt  }
0x4e: {  	_ =	shalt  }
0x4f: {  	_ =	shalt  }
0x50: {  	_ =	shalt  }
0x51: {  	_ =	shalt  }
0x52: {  	_ =	shalt  }
0x53: {  	_ =	shalt  }
0x54: {  	_ =	shalt  }
0x55: {  	_ =	shalt  }
0x56: {  	_ =	shalt  }
0x57: {  	_ =	shalt  }
0x58: {  	_ =	shalt  }
0x59: {  	_ =	shalt  }
0x5a: {  	_ =	shalt  }
0x5b: {  	_ =	shalt  }
0x5c: {  	_ =	shalt  }
0x5d: {  	_ =	shalt  }
0x5e: {  	_ =	shalt  }
0x5f: {  	_ =	shalt  }
0x60: {  	_ =	shalt  }
0x61: {  	_ =	shalt  }
0x62: {  	_ =	shalt  }
0x63: {  	_ =	shalt  }
0x64: {  	_ =	shalt  }
0x65: {  	_ =	shalt  }
0x66: {  	_ =	shalt  }
0x67: {  	_ =	shalt  }
0x68: {  	_ =	shalt  }
0x69: {  	_ =	shalt  }
0x6a: {  	_ =	shalt  }
0x6b: {  	_ =	shalt  }
0x6c: {  	_ =	shalt  }
0x6d: {  	_ =	shalt  }
0x6e: {  	_ =	shalt  }
0x6f: {  	_ =	shalt  }
0x70: {  	_ =	shalt  }
0x71: {  	_ =	shalt  }
0x72: {  	_ =	shalt  }
0x73: {  	_ =	shalt  }
0x74: {  	_ =	shalt  }
0x75: {  	_ =	shalt  }
0x76: {  	_ =	shalt  }
0x77: {  	_ =	shalt  }
0x78: {  	_ =	shalt  }
0x79: {  	_ =	shalt  }
0x7a: {  	_ =	shalt  }
0x7b: {  	_ =	shalt  }
0x7c: {  	_ =	shalt  }
0x7d: {  	_ =	shalt  }
0x7e: {  	_ =	shalt  }
0x7f: {  	_ =	shalt  }
0x80: {  	_ =	shalt  }
0x81: {  	_ =	shalt  }
0x82: {  	_ =	shalt  }
0x83: {  	_ =	shalt  }
0x84: {  	_ =	shalt  }
0x85: {  	_ =	shalt  }
0x86: {  	_ =	shalt  }
0x87: {  	_ =	shalt  }
.Lfunc_end0:
.L_simem_size_0:
called_computation_lowered:
.L_overlay_start_0:
0x88: {  	s2 =	sld [smem:$0x3FD9]  }
0x89: {  	s3 =	sld [smem:$0x3FFE];
	_ =	sdelay $0x1  }
0x8a: {  	s1 =	srdreg.scid  }
0x8b: {  	s0 =	sand.u32 $0x1, s1  }
0x8c: {  	s17 =	sshll.u32 s0, $0xA;
	s2 =	sadd.s32 s3, s2  }
0x8d: {  	s2 =	sadd.s32 s2, s17  }
0x8e: {  	[smem:$0x3FC4] =	sst s2  }
0x8f: {  	_ = 	snop  }
0x90: {  	s2 =	sld [smem:$0x3FC9]  }
0x91: {  	s18 =	sld [smem:$0x3FC8]  }
0x92: {  	s4 =	sld [smem:$0x3FD0];
	(tm) =	ssettm $0x1  }
0x93: {  	s5 =	sld [smem:$0x3FFB];
	_ =	sdelay $0x3  }
0x94: {  	_ =	strace s5  }
0x95: {  	s5 =	sld [smem:$0x3FFC];
	_ =	sdelay $0x3  }
0x96: {  	_ =	strace s5  }
0x97: {  	s5 =	sld [smem:$0x3FFD];
	_ =	sdelay $0x3  }
0x98: {  	_ =	strace s5  }
0x99: {  	_ =	strace $0x8FFFFFFF  }
0x9a: {  	s19 =	sld [smem:$0x3FDB];
	_ =	sdelay $0x1  }
0x9b: {  	s6 =	simm.s32 $_scs_section_size  }
0x9c: {  	s7 =	simm.s32 $_size__tile_overlayer_lowered;
	s8 =	simm.s32 $_tile_overlayer_lowered  }
0x9d: {  	s22 =	simm.s32 $0x1BFF;
	s21 =	sshll.u32 s8, $0x1;
	s5 =	sadd.s32 s6, s19  }
0x9e: {  	s9 =	simm.s32 $0x0;
	s20 =	sshll.u32 s7, $0x1;
	s7 =	sadd.s32 s21, s5  }
0x9f: {  	[timem:s9], [sflag:s22] =	dma.local [hbm:s7], s20  }
0xa0: {  	_ =	swait.ge [sflag:s22], s20  }
0xa1: {  	s6 =	ssub.s32 $0x0, s20;
	[sflag:s22] =	ssyncset.done $0x0  }
0xa2: {  	[sflag:s22] =	ssyncadd.s32 s6;
	_ =	sdelay $0x1  }
0xa3: {  	s23 =	simm.s32 $0x1B8B  }
0xa4: {  	_ =	swait.ge [sflag:s23], $0x1  }
0xa5: {  	[sflag:s23] =	ssyncset.done $0x0  }
0xa6: {  	s25 =	simm.s32 $0x1B8E;
	s24 =	sld [smem:$0x3FFE];
	[sflag:s23] =	ssyncadd.s32 $0xFFFFFFFF  }
0xa7: {  	s26 =	simm.s32 $execute0_lowered;
	[smem:$0x3FD2] =	sst s25  }
0xa8: {  	s7 =	sshll.u32 s26, $0x1;
	_ =	strace $0x80000046;
	[dreg:$0x1] =	wrdreg $0xFFFFFFFF  }
0xa9: {  	s28 =	simm.s32 $_size_execute0_lowered;
	s5 =	sadd.s32 s5, s7;
	[dreg:$0x0] =	wrdreg $0x0  }
0xaa: {  	s7 =	sshll.u32 s28, $0x1;
	[dreg:$0x2] =	wrdreg s5  }
0xab: {  	[dreg:$0x3] =	wrdreg s7  }
0xac: {  	[dreg:$0x4] =	wrdreg $0xC0  }
0xad: {  	_ =	task [dreg:s9], $0x5FFFF  }
0xae: {  	[dreg:$0x1] =	wrdreg $0xFFFFFFFF  }
0xaf: {  	[dreg:$0x0] =	wrdreg $0x60  }
0xb0: {  	[dreg:$0x2] =	wrdreg s2  }
0xb1: {  	[dreg:$0x3] =	wrdreg s18  }
0xb2: {  	[dreg:$0x4] =	wrdreg s24  }
0xb3: {  	[dreg:$0x5] =	wrdreg s4  }
0xb4: {  	[dreg:$0x6] =	wrdreg $0x9  }
0xb5: {  	_ =	task.clear_ibuf [dreg:s9], $0x7FFFF;
	_ =	strace $0x90000046  }
0xb6: {  	s29 =	simm.s32 $0x9;
	_ =	strace $0x80000048  }
0xb7: {  	_ =	swait.ge [sflag:s29], $0x1  }
0xb8: {  	[sflag:s29] =	ssyncadd.s32 $0xFFFFFFFF  }
0xb9: {  	_ =	strace $0x90000048  }
0xba: {  	_ =	sfence  }
0xbb: {  	s30 =	sld [smem:$0x0];
	_ =	sdelay $0x2  }
0xbc: {  	s31 =	sshll.u32 s1, $0xD;
	s1 =	sshrl.u32 s1, $0x2  }
0xbd: {  	s3 =	sand.u32 $0x4000, s31;
	s1 =	sadd.s32 s1, s30  }
0xbe: {  	s0 =	sor.u32 s3, s0;
	s1 =	sshll.u32 s1, $0x11  }
0xbf: {  	s0 =	sor.u32 s1, s0  }
0xc0: {  	s0 =	sadd.s32 $0x8F2B, s0  }
0xc1: {  	[sflag:s0] =	ssyncadd.remote.s32 $0x1  }
0xc2: {  	_ =	sfence.sel $0xFFFF  }
0xc3: {  	[dreg:$0x0] =	wrdreg $0xFFFFFFFF;
	(pc) =	sbr.abs _section_cstart, $3  }
0xc4: {  	[dreg:$0x1] =	wrdreg $0xFFFFFFFF  }
0xc5: {  	_ =	task.clear_ibuf [dreg:s9], $0x2FFFF;
	_ =	strace $0x9FFFFFFF  }
0xc6: {  	(tm) =	ssettm $0x7FFFFFFF  }
0xc7: {  	_ =	shalt  }
tec
execute0_lowered:
.L_overlay_start_1:
0x0: {  	(tag) =	ssettag $0x1  }
0x1: {  	s5 =	rddreg [dreg:$0x0]  }
0x2: {  	s6 =	rddreg [dreg:$0x1]  }
0x3: {  	s4 =	rddreg [dreg:$0x2]  }
0x4: {  	s7 =	rddreg [dreg:$0x3]  }
0x5: {  	s0 =	rddreg [dreg:$0x4];
	s1 =	simm.s32 $0x0  }
0x6: {  	s8 =	srdreg.scid;
	s2 =	stileid.u32;
	s12 =	simm.s32 $0x400  }
0x7: {  	s13 =	simm.s32 $0x800;
	s14 =	simm.s32 $0x600;
	s15 =	simm.s32 $0x8800  }
0x8: {  	s16 =	simm.s32 $0x1;
	s17 =	simm.s32 $0x2;
	s18 =	simm.s32 $0x500  }
0x9: {  	s19 =	simm.s32 $0x700;
	s20 =	simm.s32 $0x10800;
	s21 =	simm.s32 $0x0  }
0xa: {  	[smem:$0x7FF] =	sst s1;
	s3 =	sadd.s32 $0xF42A00, s4;
	s8 =	sand.u32 $0x1, s8  }
0xb: {  	s10 =	sshll.u32 s2, $0x7;
	s4 =	sadd.s32 $0x187000, s4;
	s9 =	ssub.s32 $0x2, s8  }
0xc: {  	_ =	strace $0x80000047;
	s8 =	sshll.u32 s8, $0x6;
	s11 =	sshrl.u32 s9, $0x1  }
0xd: {  	s8 =	sor.u32 s8, s10;
	s10 =	simm.s32 $0x200;
	s9 =	ssub.s32 s9, s11  }
0xe: {  	v0 =	vlaneseq.u32;
	s5 =	sadd.s32 s5, s8;
	s6 =	sadd.s32 s6, s8;
	s7 =	sadd.s32 s7, s8  }
0xf: {  	v0 =	vmul.u32 $0x80, v0;
	s11 =	simm.s32 $0x100;
	s8 =	smax.u32 s9, $0x1;
	s9 =	simm.s32 $0x3  }
.LBB2_1:
0x10: {  	[tilespmem:s1], [sflag:$0x3] =	stream.linear.gather [hbm4b:s5+s1], $0x200, $0x38;
	[tilespmem:$0x10A00] =	vst v63  }
0x11: {  	_ =	swait.ge [sflag:s9], $0x200  }
0x12: {  	[sflag:s9] =	ssyncset.done $0x0  }
0x13: {  	[sflag:s9] =	ssyncadd.s32 $0xFFFFFE00  }
0x14: {  	[tilespmem:s10], [sflag:$0x3] =	stream.linear.gather [hbm4b:s6+s1], $0x200, $0x38;
	[tilespmem:$0x10A00] =	vst v63  }
0x15: {  	_ =	swait.ge [sflag:s9], $0x200  }
0x16: {  	[sflag:s9] =	ssyncset.done $0x0  }
0x17: {  	s22 =	simm.s32 $0x0;
	[sflag:s9] =	ssyncadd.s32 $0xFFFFFE00  }
0x18: {  	v1 =	vld [tilespmem:s22+$0x200]  }
0x19: {  	s23 =	simm.s32 $0x40;
	v2 =	vld [tilespmem:s22+$0x0]  }
.LBB2_2:
0x1a: {  	p0 =	sne.s32 s23, $0x7C0  }
.Ltmp0:
0x1b: {  	_ = 	snop;
	(pc) =	sbr.rel @p0 .LBB2_2-.Ltmp0, $4  }
0x1c: {  	_ = 	snop  }
0x1d: {  	s24 =	sshra.s32 s23, $0x2;
	s23 =	sadd.s32 $0x40, s23;
	v3 =	vshra.s32 v1, $0x2  }
0x1e: {  	v1 =	vld [tilespmem:s24+$0x200];
	v4 =	vshra.s32 v2, $0x2;
	[tilespmem:s22+$0x600] =	vst v3  }
0x1f: {  	v2 =	vld [tilespmem:s24+$0x0];
	[tilespmem:s22+$0x400] =	vst v4;
	s22 =	smov.u32 s24  }
0x20: {  	_ =	sdelay $0x2  }
0x21: {  	v1 =	vshra.s32 v1, $0x2  }
0x22: {  	v2 =	vshra.s32 v2, $0x2;
	[tilespmem:s22+$0x600] =	vst v1  }
0x23: {  	[tilespmem:s22+$0x400] =	vst v2  }
0x24: {  	[tilespmem:s13], [sflag:$0x1] =	stream.indirect.gather [hbm4b:s3+s11], $0x80, s12, s11, $0xb8;
	[tilespmem:$0x10A00] =	vst v63  }
0x25: {  	_ = 	snop  }
0x26: {  	[tilespmem:s15], [sflag:$0x2] =	stream.indirect.gather [hbm4b:s4+s11], $0x80, s14, s11, $0xb8;
	[tilespmem:$0x10A00] =	vst v63  }
0x27: {  	_ =	swait.ge [sflag:s16], $0x8000  }
0x28: {  	[sflag:s16] =	ssyncset.done $0x0  }
0x29: {  	[sflag:s16] =	ssyncadd.s32 $0xFFFF8000  }
0x2a: {  	_ =	swait.ge [sflag:s17], $0x8000  }
0x2b: {  	[sflag:s17] =	ssyncset.done $0x0  }
0x2c: {  	s31 =	simm.s32 $0x0;
	[sflag:s17] =	ssyncadd.s32 $0xFFFF8000  }
0x2d: {  	s23 =	simm.s32 $0x200;
	v1 =	vld [tilespmem:s31+$0x0]  }
0x2e: {  	v2 =	vld [tilespmem:s23+$0x0];
	_ =	sdelay $0x2  }
0x2f: {  	v3 =	vmov s31  }
0x30: {  	v3 =	vshll.u32 v3, $0x7;
	v1 =	vshll.u32 v1, $0x5  }
0x31: {  	v3 =	vor.u32 v0, v3;
	v2 =	vshll.u32 v2, $0x5;
	v1 =	vand.u32 $0x60, v1  }
0x32: {  	v4 =	vand.u32 $0x60, v2;
	v2 =	vor.u32 v3, v1  }
0x33: {  	v1 =	vor.u32 v3, v4  }
0x34: {  	v3 =	vor.u32 $0x1, v2  }
0x35: {  	v4 =	vor.u32 $0x1, v1  }
0x36: {  	v5 =	vor.u32 $0x2, v2  }
0x37: {  	v7 =	vor.u32 $0x2, v1;
	v6 =	vld.idx.msk [tilespmem:v2+s13+$0x0], $0xffff  }
0x38: {  	v9 =	vor.u32 $0x3, v2;
	v8 =	vld.idx.msk [tilespmem:v1+s15+$0x0], $0xffff  }
0x39: {  	v10 =	vor.u32 $0x3, v1;
	v3 =	vld.idx.msk [tilespmem:v3+s13+$0x0], $0xffff  }
0x3a: {  	v11 =	vor.u32 $0x4, v2;
	v4 =	vld.idx.msk [tilespmem:v4+s15+$0x0], $0xffff  }
0x3b: {  	v12 =	vor.u32 $0x4, v1;
	v5 =	vld.idx.msk [tilespmem:v5+s13+$0x0], $0xffff  }
0x3c: {  	v13 =	vor.u32 $0x5, v2;
	v7 =	vld.idx.msk [tilespmem:v7+s15+$0x0], $0xffff  }
0x3d: {  	v14 =	vor.u32 $0x5, v1;
	v9 =	vld.idx.msk [tilespmem:v9+s13+$0x0], $0xffff;
	v6 =	vmul.f32 v8, v6  }
0x3e: {  	v49 =	vor.u32 $0x6, v2;
	v48 =	vld.idx.msk [tilespmem:v10+s15+$0x0], $0xffff  }
0x3f: {  	v15 =	vor.u32 $0x6, v1;
	v11 =	vld.idx.msk [tilespmem:v11+s13+$0x0], $0xffff;
	v3 =	vmul.f32 v4, v3;
	v6 =	vadd.f32 $0.0e+00, v6  }
0x40: {  	v51 =	vor.u32 $0x7, v2;
	v50 =	vld.idx.msk [tilespmem:v12+s15+$0x0], $0xffff  }
0x41: {  	v16 =	vor.u32 $0x7, v1;
	v13 =	vld.idx.msk [tilespmem:v13+s13+$0x0], $0xffff;
	v5 =	vmul.f32 v7, v5;
	v3 =	vadd.f32 v3, v6  }
0x42: {  	v54 =	vor.u32 $0x8, v1;
	v52 =	vld.idx.msk [tilespmem:v14+s15+$0x0], $0xffff  }
0x43: {  	v53 =	vor.u32 $0x8, v2;
	v10 =	vld.idx.msk [tilespmem:v49+s13+$0x0], $0xffff;
	v55 =	vmul.f32 v48, v9;
	v3 =	vadd.f32 v5, v3  }
0x44: {  	v58 =	vor.u32 $0x9, v1;
	v56 =	vld.idx.msk [tilespmem:v15+s15+$0x0], $0xffff  }
0x45: {  	v57 =	vor.u32 $0x9, v2;
	v12 =	vld.idx.msk [tilespmem:v51+s13+$0x0], $0xffff;
	v4 =	vmul.f32 v50, v11;
	v3 =	vadd.f32 v55, v3  }
0x46: {  	v61 =	vor.u32 $0xA, v1;
	v59 =	vld.idx.msk [tilespmem:v16+s15+$0x0], $0xffff  }
0x47: {  	v60 =	vor.u32 $0xA, v2;
	v63 =	vld.idx.msk [tilespmem:v54+s15+$0x0], $0xffff;
	v62 =	vmul.f32 v52, v13;
	v3 =	vadd.f32 v4, v3  }
0x48: {  	v20 =	vor.u32 $0xB, v1;
	v7 =	vld.idx.msk [tilespmem:v53+s13+$0x0], $0xffff  }
0x49: {  	v19 =	vor.u32 $0xB, v2;
	v22 =	vld.idx.msk [tilespmem:v58+s15+$0x0], $0xffff;
	v21 =	vmul.f32 v56, v10;
	v3 =	vadd.f32 v62, v3  }
0x4a: {  	v24 =	vor.u32 $0xC, v1;
	v9 =	vld.idx.msk [tilespmem:v57+s13+$0x0], $0xffff  }
0x4b: {  	v23 =	vor.u32 $0xC, v2;
	v26 =	vld.idx.msk [tilespmem:v61+s15+$0x0], $0xffff;
	v25 =	vmul.f32 v59, v12;
	v3 =	vadd.f32 v21, v3  }
0x4c: {  	v28 =	vor.u32 $0xD, v1;
	v11 =	vld.idx.msk [tilespmem:v60+s13+$0x0], $0xffff  }
0x4d: {  	v27 =	vor.u32 $0xD, v2;
	v30 =	vld.idx.msk [tilespmem:v20+s15+$0x0], $0xffff;
	v29 =	vmul.f32 v63, v7;
	v3 =	vadd.f32 v25, v3  }
0x4e: {  	v32 =	vor.u32 $0xE, v1;
	v13 =	vld.idx.msk [tilespmem:v19+s13+$0x0], $0xffff  }
0x4f: {  	v31 =	vor.u32 $0xE, v2;
	v34 =	vld.idx.msk [tilespmem:v24+s15+$0x0], $0xffff;
	v33 =	vmul.f32 v22, v9;
	v3 =	vadd.f32 v29, v3  }
0x50: {  	v36 =	vor.u32 $0xF, v1;
	v10 =	vld.idx.msk [tilespmem:v23+s13+$0x0], $0xffff  }
0x51: {  	v35 =	vor.u32 $0xF, v2;
	v38 =	vld.idx.msk [tilespmem:v28+s15+$0x0], $0xffff;
	v37 =	vmul.f32 v26, v11;
	v3 =	vadd.f32 v33, v3  }
0x52: {  	v40 =	vor.u32 $0x10, v1;
	v12 =	vld.idx.msk [tilespmem:v27+s13+$0x0], $0xffff  }
0x53: {  	v39 =	vor.u32 $0x10, v2;
	v42 =	vld.idx.msk [tilespmem:v32+s15+$0x0], $0xffff;
	v41 =	vmul.f32 v30, v13;
	v3 =	vadd.f32 v37, v3  }
0x54: {  	v44 =	vor.u32 $0x11, v1;
	v7 =	vld.idx.msk [tilespmem:v31+s13+$0x0], $0xffff  }
0x55: {  	v43 =	vor.u32 $0x11, v2;
	v46 =	vld.idx.msk [tilespmem:v36+s15+$0x0], $0xffff;
	v45 =	vmul.f32 v34, v10;
	v3 =	vadd.f32 v41, v3  }
0x56: {  	v47 =	vor.u32 $0x12, v2;
	v9 =	vld.idx.msk [tilespmem:v35+s13+$0x0], $0xffff  }
0x57: {  	v48 =	vor.u32 $0x12, v1;
	v50 =	vld.idx.msk [tilespmem:v40+s15+$0x0], $0xffff;
	v49 =	vmul.f32 v38, v12;
	v3 =	vadd.f32 v45, v3  }
0x58: {  	v51 =	vor.u32 $0x13, v2;
	v11 =	vld.idx.msk [tilespmem:v39+s13+$0x0], $0xffff  }
0x59: {  	v54 =	vld.idx.msk [tilespmem:v44+s15+$0x0], $0xffff;
	v52 =	vor.u32 $0x13, v1;
	v53 =	vmul.f32 v42, v7;
	v3 =	vadd.f32 v49, v3  }
0x5a: {  	v56 =	vor.u32 $0x14, v1;
	v13 =	vld.idx.msk [tilespmem:v43+s13+$0x0], $0xffff  }
0x5b: {  	v10 =	vld.idx.msk [tilespmem:v47+s13+$0x0], $0xffff;
	v55 =	vor.u32 $0x14, v2;
	v57 =	vmul.f32 v46, v9;
	v3 =	vadd.f32 v53, v3  }
0x5c: {  	v60 =	vor.u32 $0x15, v1;
	v58 =	vld.idx.msk [tilespmem:v48+s15+$0x0], $0xffff  }
0x5d: {  	v59 =	vor.u32 $0x15, v2;
	v12 =	vld.idx.msk [tilespmem:v51+s13+$0x0], $0xffff;
	v61 =	vmul.f32 v50, v11;
	v3 =	vadd.f32 v57, v3  }
0x5e: {  	v20 =	vor.u32 $0x16, v1;
	v62 =	vld.idx.msk [tilespmem:v52+s15+$0x0], $0xffff  }
0x5f: {  	v63 =	vor.u32 $0x16, v2;
	v22 =	vld.idx.msk [tilespmem:v56+s15+$0x0], $0xffff;
	v21 =	vmul.f32 v54, v13;
	v3 =	vadd.f32 v61, v3  }
0x60: {  	v24 =	vor.u32 $0x17, v1;
	v7 =	vld.idx.msk [tilespmem:v55+s13+$0x0], $0xffff  }
0x61: {  	v23 =	vor.u32 $0x17, v2;
	v26 =	vld.idx.msk [tilespmem:v60+s15+$0x0], $0xffff;
	v25 =	vmul.f32 v58, v10;
	v3 =	vadd.f32 v21, v3  }
0x62: {  	v28 =	vor.u32 $0x18, v1;
	v9 =	vld.idx.msk [tilespmem:v59+s13+$0x0], $0xffff  }
0x63: {  	v27 =	vor.u32 $0x18, v2;
	v30 =	vld.idx.msk [tilespmem:v20+s15+$0x0], $0xffff;
	v29 =	vmul.f32 v62, v12;
	v3 =	vadd.f32 v25, v3  }
0x64: {  	v32 =	vor.u32 $0x19, v1;
	v11 =	vld.idx.msk [tilespmem:v63+s13+$0x0], $0xffff  }
0x65: {  	v31 =	vor.u32 $0x19, v2;
	v34 =	vld.idx.msk [tilespmem:v24+s15+$0x0], $0xffff;
	v33 =	vmul.f32 v22, v7;
	v3 =	vadd.f32 v29, v3  }
0x66: {  	v36 =	vor.u32 $0x1A, v1;
	v13 =	vld.idx.msk [tilespmem:v23+s13+$0x0], $0xffff  }
0x67: {  	v35 =	vor.u32 $0x1A, v2;
	v38 =	vld.idx.msk [tilespmem:v28+s15+$0x0], $0xffff;
	v37 =	vmul.f32 v26, v9;
	v3 =	vadd.f32 v33, v3  }
0x68: {  	v40 =	vor.u32 $0x1B, v1;
	v10 =	vld.idx.msk [tilespmem:v27+s13+$0x0], $0xffff  }
0x69: {  	v39 =	vor.u32 $0x1B, v2;
	v42 =	vld.idx.msk [tilespmem:v32+s15+$0x0], $0xffff;
	v41 =	vmul.f32 v30, v11;
	v3 =	vadd.f32 v37, v3  }
0x6a: {  	v44 =	vor.u32 $0x1C, v1;
	v12 =	vld.idx.msk [tilespmem:v31+s13+$0x0], $0xffff  }
0x6b: {  	v43 =	vor.u32 $0x1C, v2;
	v46 =	vld.idx.msk [tilespmem:v36+s15+$0x0], $0xffff;
	v45 =	vmul.f32 v34, v13;
	v3 =	vadd.f32 v41, v3  }
0x6c: {  	v47 =	vor.u32 $0x1D, v2;
	v7 =	vld.idx.msk [tilespmem:v35+s13+$0x0], $0xffff  }
0x6d: {  	v48 =	vor.u32 $0x1D, v1;
	v50 =	vld.idx.msk [tilespmem:v40+s15+$0x0], $0xffff;
	v49 =	vmul.f32 v38, v10;
	v3 =	vadd.f32 v45, v3  }
0x6e: {  	v51 =	vor.u32 $0x1E, v2;
	v9 =	vld.idx.msk [tilespmem:v39+s13+$0x0], $0xffff  }
0x6f: {  	v52 =	vor.u32 $0x1E, v1;
	v54 =	vld.idx.msk [tilespmem:v44+s15+$0x0], $0xffff;
	v53 =	vmul.f32 v42, v12;
	v3 =	vadd.f32 v49, v3  }
0x70: {  	v2 =	vor.u32 $0x1F, v2;
	v11 =	vld.idx.msk [tilespmem:v43+s13+$0x0], $0xffff  }
0x71: {  	v1 =	vor.u32 $0x1F, v1;
	v55 =	vld.idx.msk [tilespmem:v47+s13+$0x0], $0xffff;
	v56 =	vmul.f32 v46, v7;
	v3 =	vadd.f32 v53, v3  }
0x72: {  	v57 =	vld.idx.msk [tilespmem:v48+s15+$0x0], $0xffff  }
0x73: {  	v58 =	vld.idx.msk [tilespmem:v51+s13+$0x0], $0xffff;
	v59 =	vmul.f32 v50, v9;
	v3 =	vadd.f32 v56, v3  }
0x74: {  	v60 =	vld.idx.msk [tilespmem:v52+s15+$0x0], $0xffff  }
0x75: {  	v2 =	vld.idx.msk [tilespmem:v2+s13+$0x0], $0xffff;
	v61 =	vmul.f32 v54, v11;
	v3 =	vadd.f32 v59, v3  }
0x76: {  	v1 =	vld.idx.msk [tilespmem:v1+s15+$0x0], $0xffff  }
0x77: {  	v62 =	vmul.f32 v57, v55;
	v3 =	vadd.f32 v61, v3;
	_ =	sdelay $0x1  }
0x78: {  	v63 =	vmul.f32 v60, v58;
	v3 =	vadd.f32 v62, v3;
	_ =	sdelay $0x1  }
0x79: {  	v1 =	vmul.f32 v1, v2;
	v3 =	vadd.f32 v63, v3;
	_ =	sdelay $0x1  }
0x7a: {  	v1 =	vadd.f32 v1, v3  }
0x7b: {  	s22 =	simm.s32 $0x10800  }
0x7c: {  	s23 =	simm.s32 $0x10;
	[tilespmem:s22+$0x0] =	vst v1  }
0x7d: {  	s24 =	simm.s32 $0x210;
	v1 =	vld [tilespmem:s23+$0x0]  }
0x7e: {  	s25 =	simm.s32 $0x20;
	s26 =	simm.s32 $0x10;
	v2 =	vld [tilespmem:s24+$0x0]  }
.LBB2_4:
0x7f: {  	p0 =	sne.s32 s25, $0xF0;
	_ =	sdelay $0x1  }
0x80: {  	v3 =	vmov s23;
	s23 =	smov.u32 s25  }
0x81: {  	v3 =	vshll.u32 v3, $0x7;
	v1 =	vshll.u32 v1, $0x5  }
0x82: {  	v3 =	vor.u32 v0, v3;
	v1 =	vand.u32 $0x60, v1;
	v2 =	vshll.u32 v2, $0x5  }
0x83: {  	v4 =	vand.u32 $0x60, v2;
	v2 =	vor.u32 v3, v1  }
0x84: {  	v1 =	vor.u32 v3, v4  }
0x85: {  	v3 =	vor.u32 $0x1, v2  }
0x86: {  	v4 =	vor.u32 $0x1, v1  }
0x87: {  	v5 =	vor.u32 $0x2, v2  }
0x88: {  	v7 =	vor.u32 $0x2, v1;
	v6 =	vld.idx.msk [tilespmem:v2+s13+$0x0], $0xffff  }
0x89: {  	v9 =	vor.u32 $0x3, v2;
	v8 =	vld.idx.msk [tilespmem:v1+s15+$0x0], $0xffff  }
0x8a: {  	v10 =	vor.u32 $0x3, v1;
	v3 =	vld.idx.msk [tilespmem:v3+s13+$0x0], $0xffff  }
0x8b: {  	v11 =	vor.u32 $0x4, v2;
	v4 =	vld.idx.msk [tilespmem:v4+s15+$0x0], $0xffff  }
0x8c: {  	v12 =	vor.u32 $0x4, v1;
	v5 =	vld.idx.msk [tilespmem:v5+s13+$0x0], $0xffff  }
0x8d: {  	v13 =	vor.u32 $0x5, v2;
	v7 =	vld.idx.msk [tilespmem:v7+s15+$0x0], $0xffff  }
0x8e: {  	v14 =	vor.u32 $0x5, v1;
	v9 =	vld.idx.msk [tilespmem:v9+s13+$0x0], $0xffff  }
0x8f: {  	v6 =	vmul.f32 v8, v6;
	v8 =	vld.idx.msk [tilespmem:v10+s15+$0x0], $0xffff;
	v10 =	vor.u32 $0x6, v2  }
0x90: {  	v15 =	vor.u32 $0x6, v1;
	v11 =	vld.idx.msk [tilespmem:v11+s13+$0x0], $0xffff  }
0x91: {  	v6 =	vadd.f32 $0.0e+00, v6;
	v3 =	vmul.f32 v4, v3;
	v4 =	vld.idx.msk [tilespmem:v12+s15+$0x0], $0xffff;
	v12 =	vor.u32 $0x7, v2  }
0x92: {  	v16 =	vor.u32 $0x7, v1;
	v13 =	vld.idx.msk [tilespmem:v13+s13+$0x0], $0xffff  }
0x93: {  	v3 =	vadd.f32 v3, v6;
	v5 =	vmul.f32 v7, v5;
	v7 =	vor.u32 $0x8, v2;
	v6 =	vld.idx.msk [tilespmem:v14+s15+$0x0], $0xffff  }
0x94: {  	v14 =	vor.u32 $0x8, v1;
	v10 =	vld.idx.msk [tilespmem:v10+s13+$0x0], $0xffff  }
0x95: {  	v3 =	vadd.f32 v5, v3;
	v5 =	vmul.f32 v8, v9;
	v9 =	vor.u32 $0x9, v2;
	v8 =	vld.idx.msk [tilespmem:v15+s15+$0x0], $0xffff  }
0x96: {  	v15 =	vor.u32 $0x9, v1;
	v12 =	vld.idx.msk [tilespmem:v12+s13+$0x0], $0xffff  }
0x97: {  	v3 =	vadd.f32 v5, v3;
	v4 =	vmul.f32 v4, v11;
	v11 =	vor.u32 $0xA, v2;
	v5 =	vld.idx.msk [tilespmem:v16+s15+$0x0], $0xffff  }
0x98: {  	v16 =	vor.u32 $0xA, v1;
	v7 =	vld.idx.msk [tilespmem:v7+s13+$0x0], $0xffff  }
0x99: {  	v3 =	vadd.f32 v4, v3;
	v4 =	vmul.f32 v6, v13;
	v13 =	vor.u32 $0xB, v2;
	v6 =	vld.idx.msk [tilespmem:v14+s15+$0x0], $0xffff  }
0x9a: {  	v14 =	vor.u32 $0xB, v1;
	v9 =	vld.idx.msk [tilespmem:v9+s13+$0x0], $0xffff  }
0x9b: {  	v3 =	vadd.f32 v4, v3;
	v4 =	vmul.f32 v8, v10;
	v10 =	vor.u32 $0xC, v2;
	v8 =	vld.idx.msk [tilespmem:v15+s15+$0x0], $0xffff  }
0x9c: {  	v15 =	vor.u32 $0xC, v1;
	v11 =	vld.idx.msk [tilespmem:v11+s13+$0x0], $0xffff  }
0x9d: {  	v3 =	vadd.f32 v4, v3;
	v4 =	vmul.f32 v5, v12;
	v12 =	vor.u32 $0xD, v2;
	v5 =	vld.idx.msk [tilespmem:v16+s15+$0x0], $0xffff  }
0x9e: {  	v16 =	vor.u32 $0xD, v1;
	v13 =	vld.idx.msk [tilespmem:v13+s13+$0x0], $0xffff  }
0x9f: {  	v3 =	vadd.f32 v4, v3;
	v4 =	vmul.f32 v6, v7;
	v7 =	vor.u32 $0xE, v2;
	v6 =	vld.idx.msk [tilespmem:v14+s15+$0x0], $0xffff  }
0xa0: {  	v14 =	vor.u32 $0xE, v1;
	v10 =	vld.idx.msk [tilespmem:v10+s13+$0x0], $0xffff  }
0xa1: {  	v3 =	vadd.f32 v4, v3;
	v4 =	vmul.f32 v8, v9;
	v9 =	vor.u32 $0xF, v2;
	v8 =	vld.idx.msk [tilespmem:v15+s15+$0x0], $0xffff  }
0xa2: {  	v15 =	vor.u32 $0xF, v1;
	v12 =	vld.idx.msk [tilespmem:v12+s13+$0x0], $0xffff  }
0xa3: {  	v3 =	vadd.f32 v4, v3;
	v4 =	vmul.f32 v5, v11;
	v11 =	vor.u32 $0x10, v2;
	v5 =	vld.idx.msk [tilespmem:v16+s15+$0x0], $0xffff  }
0xa4: {  	v16 =	vor.u32 $0x10, v1;
	v7 =	vld.idx.msk [tilespmem:v7+s13+$0x0], $0xffff  }
0xa5: {  	v3 =	vadd.f32 v4, v3;
	v4 =	vmul.f32 v6, v13;
	v13 =	vor.u32 $0x11, v2;
	v6 =	vld.idx.msk [tilespmem:v14+s15+$0x0], $0xffff  }
0xa6: {  	v14 =	vor.u32 $0x11, v1;
	v9 =	vld.idx.msk [tilespmem:v9+s13+$0x0], $0xffff  }
0xa7: {  	v3 =	vadd.f32 v4, v3;
	v4 =	vmul.f32 v8, v10;
	v10 =	vor.u32 $0x12, v2;
	v8 =	vld.idx.msk [tilespmem:v15+s15+$0x0], $0xffff  }
0xa8: {  	v15 =	vor.u32 $0x12, v1;
	v11 =	vld.idx.msk [tilespmem:v11+s13+$0x0], $0xffff  }
0xa9: {  	v3 =	vadd.f32 v4, v3;
	v4 =	vmul.f32 v5, v12;
	v12 =	vor.u32 $0x13, v2;
	v5 =	vld.idx.msk [tilespmem:v16+s15+$0x0], $0xffff  }
0xaa: {  	v16 =	vor.u32 $0x13, v1;
	v13 =	vld.idx.msk [tilespmem:v13+s13+$0x0], $0xffff  }
0xab: {  	v3 =	vadd.f32 v4, v3;
	v4 =	vmul.f32 v6, v7;
	v7 =	vor.u32 $0x14, v2;
	v6 =	vld.idx.msk [tilespmem:v14+s15+$0x0], $0xffff  }
0xac: {  	v14 =	vor.u32 $0x14, v1;
	v10 =	vld.idx.msk [tilespmem:v10+s13+$0x0], $0xffff  }
0xad: {  	v3 =	vadd.f32 v4, v3;
	v4 =	vmul.f32 v8, v9;
	v9 =	vor.u32 $0x15, v2;
	v8 =	vld.idx.msk [tilespmem:v15+s15+$0x0], $0xffff  }
0xae: {  	v15 =	vor.u32 $0x15, v1;
	v12 =	vld.idx.msk [tilespmem:v12+s13+$0x0], $0xffff  }
0xaf: {  	v3 =	vadd.f32 v4, v3;
	v4 =	vmul.f32 v5, v11;
	v11 =	vor.u32 $0x16, v2;
	v5 =	vld.idx.msk [tilespmem:v16+s15+$0x0], $0xffff  }
0xb0: {  	v16 =	vor.u32 $0x16, v1;
	v7 =	vld.idx.msk [tilespmem:v7+s13+$0x0], $0xffff  }
0xb1: {  	v3 =	vadd.f32 v4, v3;
	v4 =	vmul.f32 v6, v13;
	v13 =	vor.u32 $0x17, v2;
	v6 =	vld.idx.msk [tilespmem:v14+s15+$0x0], $0xffff  }
0xb2: {  	v14 =	vor.u32 $0x17, v1;
	v9 =	vld.idx.msk [tilespmem:v9+s13+$0x0], $0xffff  }
0xb3: {  	v3 =	vadd.f32 v4, v3;
	v4 =	vmul.f32 v8, v10;
	v10 =	vor.u32 $0x18, v2;
	v8 =	vld.idx.msk [tilespmem:v15+s15+$0x0], $0xffff  }
0xb4: {  	v15 =	vor.u32 $0x18, v1;
	v11 =	vld.idx.msk [tilespmem:v11+s13+$0x0], $0xffff  }
0xb5: {  	v3 =	vadd.f32 v4, v3;
	v4 =	vmul.f32 v5, v12;
	v12 =	vor.u32 $0x19, v2;
	v5 =	vld.idx.msk [tilespmem:v16+s15+$0x0], $0xffff  }
0xb6: {  	v16 =	vor.u32 $0x19, v1;
	v13 =	vld.idx.msk [tilespmem:v13+s13+$0x0], $0xffff  }
0xb7: {  	v3 =	vadd.f32 v4, v3;
	v4 =	vmul.f32 v6, v7;
	v7 =	vor.u32 $0x1A, v2;
	v6 =	vld.idx.msk [tilespmem:v14+s15+$0x0], $0xffff  }
0xb8: {  	v14 =	vor.u32 $0x1A, v1;
	v10 =	vld.idx.msk [tilespmem:v10+s13+$0x0], $0xffff  }
0xb9: {  	v3 =	vadd.f32 v4, v3;
	v4 =	vmul.f32 v8, v9;
	v9 =	vor.u32 $0x1B, v2;
	v8 =	vld.idx.msk [tilespmem:v15+s15+$0x0], $0xffff  }
0xba: {  	v15 =	vor.u32 $0x1B, v1;
	v12 =	vld.idx.msk [tilespmem:v12+s13+$0x0], $0xffff  }
0xbb: {  	v3 =	vadd.f32 v4, v3;
	v4 =	vmul.f32 v5, v11;
	v11 =	vor.u32 $0x1C, v2;
	v5 =	vld.idx.msk [tilespmem:v16+s15+$0x0], $0xffff  }
0xbc: {  	v16 =	vor.u32 $0x1C, v1;
	v7 =	vld.idx.msk [tilespmem:v7+s13+$0x0], $0xffff  }
0xbd: {  	v3 =	vadd.f32 v4, v3;
	v4 =	vmul.f32 v6, v13;
	v13 =	vor.u32 $0x1D, v2;
	v6 =	vld.idx.msk [tilespmem:v14+s15+$0x0], $0xffff  }
0xbe: {  	v14 =	vor.u32 $0x1D, v1;
	v9 =	vld.idx.msk [tilespmem:v9+s13+$0x0], $0xffff  }
0xbf: {  	v3 =	vadd.f32 v4, v3;
	v4 =	vmul.f32 v8, v10;
	v10 =	vor.u32 $0x1E, v2;
	v8 =	vld.idx.msk [tilespmem:v15+s15+$0x0], $0xffff  }
0xc0: {  	v15 =	vor.u32 $0x1E, v1;
	v11 =	vld.idx.msk [tilespmem:v11+s13+$0x0], $0xffff  }
0xc1: {  	v2 =	vor.u32 $0x1F, v2;
	v3 =	vadd.f32 v4, v3;
	v4 =	vmul.f32 v5, v12;
	v5 =	vld.idx.msk [tilespmem:v16+s15+$0x0], $0xffff  }
0xc2: {  	v1 =	vor.u32 $0x1F, v1;
	v12 =	vld.idx.msk [tilespmem:v13+s13+$0x0], $0xffff  }
0xc3: {  	v3 =	vadd.f32 v4, v3;
	v4 =	vmul.f32 v6, v7;
	v6 =	vld.idx.msk [tilespmem:v14+s15+$0x0], $0xffff  }
0xc4: {  	v7 =	vld.idx.msk [tilespmem:v10+s13+$0x0], $0xffff  }
0xc5: {  	v3 =	vadd.f32 v4, v3;
	v4 =	vmul.f32 v8, v9;
	v8 =	vld.idx.msk [tilespmem:v15+s15+$0x0], $0xffff  }
0xc6: {  	v2 =	vld.idx.msk [tilespmem:v2+s13+$0x0], $0xffff  }
0xc7: {  	v3 =	vadd.f32 v4, v3;
	v4 =	vmul.f32 v5, v11;
	v1 =	vld.idx.msk [tilespmem:v1+s15+$0x0], $0xffff;
	_ =	sdelay $0x1  }
0xc8: {  	v3 =	vadd.f32 v4, v3;
	v4 =	vmul.f32 v6, v12;
	_ =	sdelay $0x1  }
0xc9: {  	v3 =	vadd.f32 v4, v3;
	v4 =	vmul.f32 v8, v7;
	_ =	sdelay $0x1  }
0xca: {  	v3 =	vadd.f32 v4, v3;
	v1 =	vmul.f32 v1, v2;
	_ =	sdelay $0x1  }
.Ltmp1:
0xcb: {  	v1 =	vadd.f32 v1, v3;
	(pc) =	sbr.rel @p0 .LBB2_4-.Ltmp1, $4  }
0xcc: {  	s22 =	sadd.s32 $0x10, s22  }
0xcd: {  	s26 =	sadd.s32 $0x10, s26;
	[tilespmem:s22+$0x0] =	vst v1  }
0xce: {  	s24 =	sadd.s32 $0x10, s24;
	v1 =	vld [tilespmem:s26+$0x0]  }
0xcf: {  	s25 =	sadd.s32 $0x10, s25;
	v2 =	vld [tilespmem:s24+$0x0]  }
0xd0: {  	_ =	sdelay $0x1  }
0xd1: {  	v3 =	vmov s23  }
0xd2: {  	v3 =	vshll.u32 v3, $0x7;
	v1 =	vshll.u32 v1, $0x5  }
0xd3: {  	v3 =	vor.u32 v0, v3;
	v1 =	vand.u32 $0x60, v1;
	v2 =	vshll.u32 v2, $0x5  }
0xd4: {  	v4 =	vand.u32 $0x60, v2;
	v2 =	vor.u32 v3, v1  }
0xd5: {  	v1 =	vor.u32 v3, v4  }
0xd6: {  	v3 =	vor.u32 $0x1, v2  }
0xd7: {  	v4 =	vor.u32 $0x1, v1  }
0xd8: {  	v5 =	vor.u32 $0x2, v2  }
0xd9: {  	v7 =	vor.u32 $0x2, v1;
	v6 =	vld.idx.msk [tilespmem:v2+s13+$0x0], $0xffff  }
0xda: {  	v9 =	vor.u32 $0x3, v2;
	v8 =	vld.idx.msk [tilespmem:v1+s15+$0x0], $0xffff  }
0xdb: {  	v10 =	vor.u32 $0x3, v1;
	v3 =	vld.idx.msk [tilespmem:v3+s13+$0x0], $0xffff  }
0xdc: {  	v11 =	vor.u32 $0x4, v2;
	v4 =	vld.idx.msk [tilespmem:v4+s15+$0x0], $0xffff  }
0xdd: {  	v12 =	vor.u32 $0x4, v1;
	v5 =	vld.idx.msk [tilespmem:v5+s13+$0x0], $0xffff  }
0xde: {  	v13 =	vor.u32 $0x5, v2;
	v7 =	vld.idx.msk [tilespmem:v7+s15+$0x0], $0xffff  }
0xdf: {  	v14 =	vor.u32 $0x5, v1;
	v9 =	vld.idx.msk [tilespmem:v9+s13+$0x0], $0xffff;
	v6 =	vmul.f32 v8, v6  }
0xe0: {  	v21 =	vor.u32 $0x6, v2;
	v20 =	vld.idx.msk [tilespmem:v10+s15+$0x0], $0xffff  }
0xe1: {  	v15 =	vor.u32 $0x6, v1;
	v11 =	vld.idx.msk [tilespmem:v11+s13+$0x0], $0xffff;
	v3 =	vmul.f32 v4, v3;
	v6 =	vadd.f32 $0.0e+00, v6  }
0xe2: {  	v23 =	vor.u32 $0x7, v2;
	v22 =	vld.idx.msk [tilespmem:v12+s15+$0x0], $0xffff  }
0xe3: {  	v16 =	vor.u32 $0x7, v1;
	v13 =	vld.idx.msk [tilespmem:v13+s13+$0x0], $0xffff;
	v5 =	vmul.f32 v7, v5;
	v3 =	vadd.f32 v3, v6  }
0xe4: {  	v26 =	vor.u32 $0x8, v1;
	v24 =	vld.idx.msk [tilespmem:v14+s15+$0x0], $0xffff  }
0xe5: {  	v25 =	vor.u32 $0x8, v2;
	v10 =	vld.idx.msk [tilespmem:v21+s13+$0x0], $0xffff;
	v27 =	vmul.f32 v20, v9;
	v3 =	vadd.f32 v5, v3  }
0xe6: {  	v30 =	vor.u32 $0x9, v1;
	v28 =	vld.idx.msk [tilespmem:v15+s15+$0x0], $0xffff  }
0xe7: {  	v29 =	vor.u32 $0x9, v2;
	v12 =	vld.idx.msk [tilespmem:v23+s13+$0x0], $0xffff;
	v4 =	vmul.f32 v22, v11;
	v3 =	vadd.f32 v27, v3  }
0xe8: {  	v33 =	vor.u32 $0xA, v1;
	v31 =	vld.idx.msk [tilespmem:v16+s15+$0x0], $0xffff  }
0xe9: {  	v32 =	vor.u32 $0xA, v2;
	v35 =	vld.idx.msk [tilespmem:v26+s15+$0x0], $0xffff;
	v34 =	vmul.f32 v24, v13;
	v3 =	vadd.f32 v4, v3  }
0xea: {  	v37 =	vor.u32 $0xB, v1;
	v7 =	vld.idx.msk [tilespmem:v25+s13+$0x0], $0xffff  }
0xeb: {  	v36 =	vor.u32 $0xB, v2;
	v39 =	vld.idx.msk [tilespmem:v30+s15+$0x0], $0xffff;
	v38 =	vmul.f32 v28, v10;
	v3 =	vadd.f32 v34, v3  }
0xec: {  	v41 =	vor.u32 $0xC, v1;
	v9 =	vld.idx.msk [tilespmem:v29+s13+$0x0], $0xffff  }
0xed: {  	v40 =	vor.u32 $0xC, v2;
	v43 =	vld.idx.msk [tilespmem:v33+s15+$0x0], $0xffff;
	v42 =	vmul.f32 v31, v12;
	v3 =	vadd.f32 v38, v3  }
0xee: {  	v45 =	vor.u32 $0xD, v1;
	v11 =	vld.idx.msk [tilespmem:v32+s13+$0x0], $0xffff  }
0xef: {  	v44 =	vor.u32 $0xD, v2;
	v47 =	vld.idx.msk [tilespmem:v37+s15+$0x0], $0xffff;
	v46 =	vmul.f32 v35, v7;
	v3 =	vadd.f32 v42, v3  }
0xf0: {  	v49 =	vor.u32 $0xE, v1;
	v13 =	vld.idx.msk [tilespmem:v36+s13+$0x0], $0xffff  }
0xf1: {  	v48 =	vor.u32 $0xE, v2;
	v51 =	vld.idx.msk [tilespmem:v41+s15+$0x0], $0xffff;
	v50 =	vmul.f32 v39, v9;
	v3 =	vadd.f32 v46, v3  }
0xf2: {  	v53 =	vor.u32 $0xF, v1;
	v10 =	vld.idx.msk [tilespmem:v40+s13+$0x0], $0xffff  }
0xf3: {  	v52 =	vor.u32 $0xF, v2;
	v55 =	vld.idx.msk [tilespmem:v45+s15+$0x0], $0xffff;
	v54 =	vmul.f32 v43, v11;
	v3 =	vadd.f32 v50, v3  }
0xf4: {  	v57 =	vor.u32 $0x10, v1;
	v12 =	vld.idx.msk [tilespmem:v44+s13+$0x0], $0xffff  }
0xf5: {  	v56 =	vor.u32 $0x10, v2;
	v59 =	vld.idx.msk [tilespmem:v49+s15+$0x0], $0xffff;
	v58 =	vmul.f32 v47, v13;
	v3 =	vadd.f32 v54, v3  }
0xf6: {  	v60 =	vor.u32 $0x11, v2;
	v7 =	vld.idx.msk [tilespmem:v48+s13+$0x0], $0xffff  }
0xf7: {  	v61 =	vor.u32 $0x11, v1;
	v63 =	vld.idx.msk [tilespmem:v53+s15+$0x0], $0xffff;
	v62 =	vmul.f32 v51, v10;
	v3 =	vadd.f32 v58, v3  }
0xf8: {  	v21 =	vor.u32 $0x12, v1;
	v9 =	vld.idx.msk [tilespmem:v52+s13+$0x0], $0xffff  }
0xf9: {  	v23 =	vld.idx.msk [tilespmem:v57+s15+$0x0], $0xffff;
	v20 =	vor.u32 $0x12, v2;
	v22 =	vmul.f32 v55, v12;
	v3 =	vadd.f32 v62, v3  }
0xfa: {  	v24 =	vor.u32 $0x13, v2;
	v11 =	vld.idx.msk [tilespmem:v56+s13+$0x0], $0xffff  }
0xfb: {  	v25 =	vor.u32 $0x13, v1;
	v13 =	vld.idx.msk [tilespmem:v60+s13+$0x0], $0xffff;
	v26 =	vmul.f32 v59, v7;
	v3 =	vadd.f32 v22, v3  }
0xfc: {  	v29 =	vor.u32 $0x14, v1;
	v27 =	vld.idx.msk [tilespmem:v61+s15+$0x0], $0xffff  }
0xfd: {  	v28 =	vor.u32 $0x14, v2;
	v31 =	vld.idx.msk [tilespmem:v21+s15+$0x0], $0xffff;
	v30 =	vmul.f32 v63, v9;
	v3 =	vadd.f32 v26, v3  }
0xfe: {  	v33 =	vor.u32 $0x15, v1;
	v10 =	vld.idx.msk [tilespmem:v20+s13+$0x0], $0xffff  }
0xff: {  	v32 =	vor.u32 $0x15, v2;
	v12 =	vld.idx.msk [tilespmem:v24+s13+$0x0], $0xffff;
	v34 =	vmul.f32 v23, v11;
	v3 =	vadd.f32 v30, v3  }
0x100: {  	v37 =	vor.u32 $0x16, v1;
	v35 =	vld.idx.msk [tilespmem:v25+s15+$0x0], $0xffff  }
0x101: {  	v36 =	vor.u32 $0x16, v2;
	v39 =	vld.idx.msk [tilespmem:v29+s15+$0x0], $0xffff;
	v38 =	vmul.f32 v27, v13;
	v3 =	vadd.f32 v34, v3  }
0x102: {  	v41 =	vor.u32 $0x17, v1;
	v7 =	vld.idx.msk [tilespmem:v28+s13+$0x0], $0xffff  }
0x103: {  	v40 =	vor.u32 $0x17, v2;
	v43 =	vld.idx.msk [tilespmem:v33+s15+$0x0], $0xffff;
	v42 =	vmul.f32 v31, v10;
	v3 =	vadd.f32 v38, v3  }
0x104: {  	v45 =	vor.u32 $0x18, v1;
	v9 =	vld.idx.msk [tilespmem:v32+s13+$0x0], $0xffff  }
0x105: {  	v44 =	vor.u32 $0x18, v2;
	v47 =	vld.idx.msk [tilespmem:v37+s15+$0x0], $0xffff;
	v46 =	vmul.f32 v35, v12;
	v3 =	vadd.f32 v42, v3  }
0x106: {  	v49 =	vor.u32 $0x19, v1;
	v11 =	vld.idx.msk [tilespmem:v36+s13+$0x0], $0xffff  }
0x107: {  	v48 =	vor.u32 $0x19, v2;
	v51 =	vld.idx.msk [tilespmem:v41+s15+$0x0], $0xffff;
	v50 =	vmul.f32 v39, v7;
	v3 =	vadd.f32 v46, v3  }
0x108: {  	v53 =	vor.u32 $0x1A, v1;
	v13 =	vld.idx.msk [tilespmem:v40+s13+$0x0], $0xffff  }
0x109: {  	v52 =	vor.u32 $0x1A, v2;
	v55 =	vld.idx.msk [tilespmem:v45+s15+$0x0], $0xffff;
	v54 =	vmul.f32 v43, v9;
	v3 =	vadd.f32 v50, v3  }
0x10a: {  	v57 =	vor.u32 $0x1B, v1;
	v10 =	vld.idx.msk [tilespmem:v44+s13+$0x0], $0xffff  }
0x10b: {  	v56 =	vor.u32 $0x1B, v2;
	v59 =	vld.idx.msk [tilespmem:v49+s15+$0x0], $0xffff;
	v58 =	vmul.f32 v47, v11;
	v3 =	vadd.f32 v54, v3  }
0x10c: {  	v61 =	vor.u32 $0x1C, v1;
	v12 =	vld.idx.msk [tilespmem:v48+s13+$0x0], $0xffff  }
0x10d: {  	v60 =	vor.u32 $0x1C, v2;
	v63 =	vld.idx.msk [tilespmem:v53+s15+$0x0], $0xffff;
	v62 =	vmul.f32 v51, v13;
	v3 =	vadd.f32 v58, v3  }
0x10e: {  	v19 =	vor.u32 $0x1D, v1;
	v7 =	vld.idx.msk [tilespmem:v52+s13+$0x0], $0xffff  }
0x10f: {  	v18 =	vor.u32 $0x1D, v2;
	v21 =	vld.idx.msk [tilespmem:v57+s15+$0x0], $0xffff;
	v20 =	vmul.f32 v55, v10;
	v3 =	vadd.f32 v62, v3  }
0x110: {  	v23 =	vor.u32 $0x1E, v1;
	v9 =	vld.idx.msk [tilespmem:v56+s13+$0x0], $0xffff  }
0x111: {  	v25 =	vld.idx.msk [tilespmem:v61+s15+$0x0], $0xffff;
	v24 =	vmul.f32 v59, v12;
	v22 =	vor.u32 $0x1E, v2;
	v3 =	vadd.f32 v20, v3  }
0x112: {  	v1 =	vor.u32 $0x1F, v1;
	v11 =	vld.idx.msk [tilespmem:v60+s13+$0x0], $0xffff  }
0x113: {  	v28 =	vld.idx.msk [tilespmem:v19+s15+$0x0], $0xffff;
	v27 =	vmul.f32 v63, v7;
	v2 =	vor.u32 $0x1F, v2;
	v3 =	vadd.f32 v24, v3  }
0x114: {  	v26 =	vld.idx.msk [tilespmem:v18+s13+$0x0], $0xffff  }
0x115: {  	v31 =	vld.idx.msk [tilespmem:v23+s15+$0x0], $0xffff;
	v30 =	vmul.f32 v21, v9;
	v3 =	vadd.f32 v27, v3  }
0x116: {  	v29 =	vld.idx.msk [tilespmem:v22+s13+$0x0], $0xffff  }
0x117: {  	v1 =	vld.idx.msk [tilespmem:v1+s15+$0x0], $0xffff;
	v32 =	vmul.f32 v25, v11;
	v3 =	vadd.f32 v30, v3  }
0x118: {  	v2 =	vld.idx.msk [tilespmem:v2+s13+$0x0], $0xffff  }
0x119: {  	v33 =	vmul.f32 v28, v26;
	v3 =	vadd.f32 v32, v3;
	_ =	sdelay $0x1  }
0x11a: {  	v34 =	vmul.f32 v31, v29;
	v3 =	vadd.f32 v33, v3;
	_ =	sdelay $0x1  }
0x11b: {  	v1 =	vmul.f32 v1, v2;
	v3 =	vadd.f32 v34, v3;
	_ =	sdelay $0x1  }
0x11c: {  	v1 =	vadd.f32 v1, v3  }
0x11d: {  	s22 =	sadd.s32 $0x10, s22  }
0x11e: {  	s29 =	simm.s32 $0x100;
	[tilespmem:s22+$0x0] =	vst v1  }
0x11f: {  	[tilespmem:s13], [sflag:$0x1] =	stream.indirect.gather [hbm4b:s3+s29], $0x80, s18, s29, $0xb8;
	[tilespmem:$0x10A00] =	vst v63  }
0x120: {  	_ = 	snop  }
0x121: {  	[tilespmem:s15], [sflag:$0x2] =	stream.indirect.gather [hbm4b:s4+s29], $0x80, s19, s29, $0xb8;
	[tilespmem:$0x10A00] =	vst v63  }
0x122: {  	_ =	swait.ge [sflag:s16], $0x8000  }
0x123: {  	[sflag:s16] =	ssyncset.done $0x0  }
0x124: {  	[sflag:s16] =	ssyncadd.s32 $0xFFFF8000  }
0x125: {  	_ =	swait.ge [sflag:s17], $0x8000  }
0x126: {  	[sflag:s17] =	ssyncset.done $0x0  }
0x127: {  	[sflag:s17] =	ssyncadd.s32 $0xFFFF8000  }
0x128: {  	s30 =	simm.s32 $0x300;
	v1 =	vld [tilespmem:s29+$0x0]  }
0x129: {  	v2 =	vld [tilespmem:s30+$0x0];
	_ =	sdelay $0x1  }
0x12a: {  	s31 =	simm.s32 $0x0  }
0x12b: {  	v3 =	vmov s31  }
0x12c: {  	v3 =	vshll.u32 v3, $0x7;
	v1 =	vshll.u32 v1, $0x5  }
0x12d: {  	v3 =	vor.u32 v0, v3;
	v2 =	vshll.u32 v2, $0x5;
	v1 =	vand.u32 $0x60, v1  }
0x12e: {  	v35 =	vand.u32 $0x60, v2;
	v2 =	vor.u32 v3, v1  }
0x12f: {  	v1 =	vor.u32 v3, v35  }
0x130: {  	v3 =	vor.u32 $0x1, v2  }
0x131: {  	v4 =	vor.u32 $0x1, v1  }
0x132: {  	v36 =	vor.u32 $0x2, v2  }
0x133: {  	v38 =	vor.u32 $0x2, v1;
	v37 =	vld.idx.msk [tilespmem:v2+s13+$0x0], $0xffff  }
0x134: {  	v40 =	vor.u32 $0x3, v2;
	v39 =	vld.idx.msk [tilespmem:v1+s15+$0x0], $0xffff  }
0x135: {  	v41 =	vor.u32 $0x3, v1;
	v3 =	vld.idx.msk [tilespmem:v3+s13+$0x0], $0xffff  }
0x136: {  	v42 =	vor.u32 $0x4, v2;
	v4 =	vld.idx.msk [tilespmem:v4+s15+$0x0], $0xffff  }
0x137: {  	v43 =	vor.u32 $0x4, v1;
	v5 =	vld.idx.msk [tilespmem:v36+s13+$0x0], $0xffff  }
0x138: {  	v44 =	vor.u32 $0x5, v2;
	v7 =	vld.idx.msk [tilespmem:v38+s15+$0x0], $0xffff  }
0x139: {  	v45 =	vor.u32 $0x5, v1;
	v9 =	vld.idx.msk [tilespmem:v40+s13+$0x0], $0xffff;
	v6 =	vmul.f32 v39, v37  }
0x13a: {  	v47 =	vor.u32 $0x6, v2;
	v46 =	vld.idx.msk [tilespmem:v41+s15+$0x0], $0xffff  }
0x13b: {  	v48 =	vor.u32 $0x6, v1;
	v11 =	vld.idx.msk [tilespmem:v42+s13+$0x0], $0xffff;
	v3 =	vmul.f32 v4, v3;
	v6 =	vadd.f32 $0.0e+00, v6  }
0x13c: {  	v50 =	vor.u32 $0x7, v2;
	v49 =	vld.idx.msk [tilespmem:v43+s15+$0x0], $0xffff  }
0x13d: {  	v51 =	vor.u32 $0x7, v1;
	v13 =	vld.idx.msk [tilespmem:v44+s13+$0x0], $0xffff;
	v5 =	vmul.f32 v7, v5;
	v3 =	vadd.f32 v3, v6  }
0x13e: {  	v54 =	vor.u32 $0x8, v1;
	v52 =	vld.idx.msk [tilespmem:v45+s15+$0x0], $0xffff  }
0x13f: {  	v53 =	vor.u32 $0x8, v2;
	v10 =	vld.idx.msk [tilespmem:v47+s13+$0x0], $0xffff;
	v55 =	vmul.f32 v46, v9;
	v3 =	vadd.f32 v5, v3  }
0x140: {  	v58 =	vor.u32 $0x9, v1;
	v56 =	vld.idx.msk [tilespmem:v48+s15+$0x0], $0xffff  }
0x141: {  	v57 =	vor.u32 $0x9, v2;
	v12 =	vld.idx.msk [tilespmem:v50+s13+$0x0], $0xffff;
	v4 =	vmul.f32 v49, v11;
	v3 =	vadd.f32 v55, v3  }
0x142: {  	v61 =	vor.u32 $0xA, v1;
	v59 =	vld.idx.msk [tilespmem:v51+s15+$0x0], $0xffff  }
0x143: {  	v60 =	vor.u32 $0xA, v2;
	v63 =	vld.idx.msk [tilespmem:v54+s15+$0x0], $0xffff;
	v62 =	vmul.f32 v52, v13;
	v3 =	vadd.f32 v4, v3  }
0x144: {  	v20 =	vor.u32 $0xB, v1;
	v7 =	vld.idx.msk [tilespmem:v53+s13+$0x0], $0xffff  }
0x145: {  	v19 =	vor.u32 $0xB, v2;
	v22 =	vld.idx.msk [tilespmem:v58+s15+$0x0], $0xffff;
	v21 =	vmul.f32 v56, v10;
	v3 =	vadd.f32 v62, v3  }
0x146: {  	v24 =	vor.u32 $0xC, v1;
	v9 =	vld.idx.msk [tilespmem:v57+s13+$0x0], $0xffff  }
0x147: {  	v23 =	vor.u32 $0xC, v2;
	v26 =	vld.idx.msk [tilespmem:v61+s15+$0x0], $0xffff;
	v25 =	vmul.f32 v59, v12;
	v3 =	vadd.f32 v21, v3  }
0x148: {  	v28 =	vor.u32 $0xD, v1;
	v11 =	vld.idx.msk [tilespmem:v60+s13+$0x0], $0xffff  }
0x149: {  	v27 =	vor.u32 $0xD, v2;
	v30 =	vld.idx.msk [tilespmem:v20+s15+$0x0], $0xffff;
	v29 =	vmul.f32 v63, v7;
	v3 =	vadd.f32 v25, v3  }
0x14a: {  	v32 =	vor.u32 $0xE, v1;
	v13 =	vld.idx.msk [tilespmem:v19+s13+$0x0], $0xffff  }
0x14b: {  	v31 =	vor.u32 $0xE, v2;
	v34 =	vld.idx.msk [tilespmem:v24+s15+$0x0], $0xffff;
	v33 =	vmul.f32 v22, v9;
	v3 =	vadd.f32 v29, v3  }
0x14c: {  	v36 =	vor.u32 $0xF, v1;
	v10 =	vld.idx.msk [tilespmem:v23+s13+$0x0], $0xffff  }
0x14d: {  	v35 =	vor.u32 $0xF, v2;
	v38 =	vld.idx.msk [tilespmem:v28+s15+$0x0], $0xffff;
	v37 =	vmul.f32 v26, v11;
	v3 =	vadd.f32 v33, v3  }
0x14e: {  	v40 =	vor.u32 $0x10, v1;
	v12 =	vld.idx.msk [tilespmem:v27+s13+$0x0], $0xffff  }
0x14f: {  	v42 =	vld.idx.msk [tilespmem:v32+s15+$0x0], $0xffff;
	v39 =	vor.u32 $0x10, v2;
	v41 =	vmul.f32 v30, v13;
	v3 =	vadd.f32 v37, v3  }
0x150: {  	v44 =	vor.u32 $0x11, v1;
	v7 =	vld.idx.msk [tilespmem:v31+s13+$0x0], $0xffff  }
0x151: {  	v43 =	vor.u32 $0x11, v2;
	v46 =	vld.idx.msk [tilespmem:v36+s15+$0x0], $0xffff;
	v45 =	vmul.f32 v34, v10;
	v3 =	vadd.f32 v41, v3  }
0x152: {  	v48 =	vor.u32 $0x12, v1;
	v9 =	vld.idx.msk [tilespmem:v35+s13+$0x0], $0xffff  }
0x153: {  	v47 =	vor.u32 $0x12, v2;
	v50 =	vld.idx.msk [tilespmem:v40+s15+$0x0], $0xffff;
	v49 =	vmul.f32 v38, v12;
	v3 =	vadd.f32 v45, v3  }
0x154: {  	v51 =	vor.u32 $0x13, v2;
	v11 =	vld.idx.msk [tilespmem:v39+s13+$0x0], $0xffff  }
0x155: {  	v52 =	vor.u32 $0x13, v1;
	v54 =	vld.idx.msk [tilespmem:v44+s15+$0x0], $0xffff;
	v53 =	vmul.f32 v42, v7;
	v3 =	vadd.f32 v49, v3  }
0x156: {  	v56 =	vor.u32 $0x14, v1;
	v13 =	vld.idx.msk [tilespmem:v43+s13+$0x0], $0xffff  }
0x157: {  	v58 =	vld.idx.msk [tilespmem:v48+s15+$0x0], $0xffff;
	v55 =	vor.u32 $0x14, v2;
	v57 =	vmul.f32 v46, v9;
	v3 =	vadd.f32 v53, v3  }
0x158: {  	v60 =	vor.u32 $0x15, v1;
	v10 =	vld.idx.msk [tilespmem:v47+s13+$0x0], $0xffff  }
0x159: {  	v59 =	vor.u32 $0x15, v2;
	v12 =	vld.idx.msk [tilespmem:v51+s13+$0x0], $0xffff;
	v61 =	vmul.f32 v50, v11;
	v3 =	vadd.f32 v57, v3  }
0x15a: {  	v20 =	vor.u32 $0x16, v1;
	v62 =	vld.idx.msk [tilespmem:v52+s15+$0x0], $0xffff  }
0x15b: {  	v63 =	vor.u32 $0x16, v2;
	v22 =	vld.idx.msk [tilespmem:v56+s15+$0x0], $0xffff;
	v21 =	vmul.f32 v54, v13;
	v3 =	vadd.f32 v61, v3  }
0x15c: {  	v24 =	vor.u32 $0x17, v1;
	v7 =	vld.idx.msk [tilespmem:v55+s13+$0x0], $0xffff  }
0x15d: {  	v23 =	vor.u32 $0x17, v2;
	v26 =	vld.idx.msk [tilespmem:v60+s15+$0x0], $0xffff;
	v25 =	vmul.f32 v58, v10;
	v3 =	vadd.f32 v21, v3  }
0x15e: {  	v28 =	vor.u32 $0x18, v1;
	v9 =	vld.idx.msk [tilespmem:v59+s13+$0x0], $0xffff  }
0x15f: {  	v27 =	vor.u32 $0x18, v2;
	v30 =	vld.idx.msk [tilespmem:v20+s15+$0x0], $0xffff;
	v29 =	vmul.f32 v62, v12;
	v3 =	vadd.f32 v25, v3  }
0x160: {  	v32 =	vor.u32 $0x19, v1;
	v11 =	vld.idx.msk [tilespmem:v63+s13+$0x0], $0xffff  }
0x161: {  	v31 =	vor.u32 $0x19, v2;
	v34 =	vld.idx.msk [tilespmem:v24+s15+$0x0], $0xffff;
	v33 =	vmul.f32 v22, v7;
	v3 =	vadd.f32 v29, v3  }
0x162: {  	v36 =	vor.u32 $0x1A, v1;
	v13 =	vld.idx.msk [tilespmem:v23+s13+$0x0], $0xffff  }
0x163: {  	v35 =	vor.u32 $0x1A, v2;
	v38 =	vld.idx.msk [tilespmem:v28+s15+$0x0], $0xffff;
	v37 =	vmul.f32 v26, v9;
	v3 =	vadd.f32 v33, v3  }
0x164: {  	v40 =	vor.u32 $0x1B, v1;
	v10 =	vld.idx.msk [tilespmem:v27+s13+$0x0], $0xffff  }
0x165: {  	v39 =	vor.u32 $0x1B, v2;
	v42 =	vld.idx.msk [tilespmem:v32+s15+$0x0], $0xffff;
	v41 =	vmul.f32 v30, v11;
	v3 =	vadd.f32 v37, v3  }
0x166: {  	v44 =	vor.u32 $0x1C, v1;
	v12 =	vld.idx.msk [tilespmem:v31+s13+$0x0], $0xffff  }
0x167: {  	v43 =	vor.u32 $0x1C, v2;
	v46 =	vld.idx.msk [tilespmem:v36+s15+$0x0], $0xffff;
	v45 =	vmul.f32 v34, v13;
	v3 =	vadd.f32 v41, v3  }
0x168: {  	v47 =	vor.u32 $0x1D, v2;
	v7 =	vld.idx.msk [tilespmem:v35+s13+$0x0], $0xffff  }
0x169: {  	v48 =	vor.u32 $0x1D, v1;
	v50 =	vld.idx.msk [tilespmem:v40+s15+$0x0], $0xffff;
	v49 =	vmul.f32 v38, v10;
	v3 =	vadd.f32 v45, v3  }
0x16a: {  	v51 =	vor.u32 $0x1E, v2;
	v9 =	vld.idx.msk [tilespmem:v39+s13+$0x0], $0xffff  }
0x16b: {  	v52 =	vor.u32 $0x1E, v1;
	v54 =	vld.idx.msk [tilespmem:v44+s15+$0x0], $0xffff;
	v53 =	vmul.f32 v42, v12;
	v3 =	vadd.f32 v49, v3  }
0x16c: {  	v2 =	vor.u32 $0x1F, v2;
	v11 =	vld.idx.msk [tilespmem:v43+s13+$0x0], $0xffff  }
0x16d: {  	v1 =	vor.u32 $0x1F, v1;
	v55 =	vld.idx.msk [tilespmem:v47+s13+$0x0], $0xffff;
	v56 =	vmul.f32 v46, v7;
	v3 =	vadd.f32 v53, v3  }
0x16e: {  	v57 =	vld.idx.msk [tilespmem:v48+s15+$0x0], $0xffff  }
0x16f: {  	v58 =	vld.idx.msk [tilespmem:v51+s13+$0x0], $0xffff;
	v59 =	vmul.f32 v50, v9;
	v3 =	vadd.f32 v56, v3  }
0x170: {  	v60 =	vld.idx.msk [tilespmem:v52+s15+$0x0], $0xffff  }
0x171: {  	v2 =	vld.idx.msk [tilespmem:v2+s13+$0x0], $0xffff;
	v61 =	vmul.f32 v54, v11;
	v3 =	vadd.f32 v59, v3  }
0x172: {  	v1 =	vld.idx.msk [tilespmem:v1+s15+$0x0], $0xffff  }
0x173: {  	v62 =	vmul.f32 v57, v55;
	v3 =	vadd.f32 v61, v3;
	_ =	sdelay $0x1  }
0x174: {  	v63 =	vmul.f32 v60, v58;
	v3 =	vadd.f32 v62, v3;
	_ =	sdelay $0x1  }
0x175: {  	v1 =	vmul.f32 v1, v2;
	v3 =	vadd.f32 v63, v3;
	_ =	sdelay $0x1  }
0x176: {  	v1 =	vadd.f32 v1, v3  }
0x177: {  	s22 =	simm.s32 $0x10900  }
0x178: {  	s23 =	simm.s32 $0x110;
	[tilespmem:s22+$0x0] =	vst v1  }
0x179: {  	s24 =	simm.s32 $0x310;
	v1 =	vld [tilespmem:s23+$0x0]  }
0x17a: {  	s25 =	simm.s32 $0x10;
	s26 =	simm.s32 $0x20;
	v2 =	vld [tilespmem:s24+$0x0]  }
.LBB2_6:
0x17b: {  	p0 =	sne.s32 s26, $0xF0;
	_ =	sdelay $0x1  }
0x17c: {  	v3 =	vmov s25;
	s25 =	smov.u32 s26  }
0x17d: {  	v3 =	vshll.u32 v3, $0x7;
	v1 =	vshll.u32 v1, $0x5  }
0x17e: {  	v3 =	vor.u32 v0, v3;
	v1 =	vand.u32 $0x60, v1;
	v2 =	vshll.u32 v2, $0x5  }
0x17f: {  	v4 =	vand.u32 $0x60, v2;
	v2 =	vor.u32 v3, v1  }
0x180: {  	v1 =	vor.u32 v3, v4  }
0x181: {  	v3 =	vor.u32 $0x1, v2  }
0x182: {  	v4 =	vor.u32 $0x1, v1  }
0x183: {  	v5 =	vor.u32 $0x2, v2  }
0x184: {  	v7 =	vor.u32 $0x2, v1;
	v6 =	vld.idx.msk [tilespmem:v2+s13+$0x0], $0xffff  }
0x185: {  	v9 =	vor.u32 $0x3, v2;
	v8 =	vld.idx.msk [tilespmem:v1+s15+$0x0], $0xffff  }
0x186: {  	v10 =	vor.u32 $0x3, v1;
	v3 =	vld.idx.msk [tilespmem:v3+s13+$0x0], $0xffff  }
0x187: {  	v11 =	vor.u32 $0x4, v2;
	v4 =	vld.idx.msk [tilespmem:v4+s15+$0x0], $0xffff  }
0x188: {  	v12 =	vor.u32 $0x4, v1;
	v5 =	vld.idx.msk [tilespmem:v5+s13+$0x0], $0xffff  }
0x189: {  	v13 =	vor.u32 $0x5, v2;
	v7 =	vld.idx.msk [tilespmem:v7+s15+$0x0], $0xffff  }
0x18a: {  	v14 =	vor.u32 $0x5, v1;
	v9 =	vld.idx.msk [tilespmem:v9+s13+$0x0], $0xffff  }
0x18b: {  	v6 =	vmul.f32 v8, v6;
	v8 =	vld.idx.msk [tilespmem:v10+s15+$0x0], $0xffff;
	v10 =	vor.u32 $0x6, v2  }
0x18c: {  	v15 =	vor.u32 $0x6, v1;
	v11 =	vld.idx.msk [tilespmem:v11+s13+$0x0], $0xffff  }
0x18d: {  	v6 =	vadd.f32 $0.0e+00, v6;
	v3 =	vmul.f32 v4, v3;
	v4 =	vld.idx.msk [tilespmem:v12+s15+$0x0], $0xffff;
	v12 =	vor.u32 $0x7, v2  }
0x18e: {  	v16 =	vor.u32 $0x7, v1;
	v13 =	vld.idx.msk [tilespmem:v13+s13+$0x0], $0xffff  }
0x18f: {  	v3 =	vadd.f32 v3, v6;
	v5 =	vmul.f32 v7, v5;
	v7 =	vor.u32 $0x8, v2;
	v6 =	vld.idx.msk [tilespmem:v14+s15+$0x0], $0xffff  }
0x190: {  	v14 =	vor.u32 $0x8, v1;
	v10 =	vld.idx.msk [tilespmem:v10+s13+$0x0], $0xffff  }
0x191: {  	v3 =	vadd.f32 v5, v3;
	v5 =	vmul.f32 v8, v9;
	v9 =	vor.u32 $0x9, v2;
	v8 =	vld.idx.msk [tilespmem:v15+s15+$0x0], $0xffff  }
0x192: {  	v15 =	vor.u32 $0x9, v1;
	v12 =	vld.idx.msk [tilespmem:v12+s13+$0x0], $0xffff  }
0x193: {  	v3 =	vadd.f32 v5, v3;
	v4 =	vmul.f32 v4, v11;
	v11 =	vor.u32 $0xA, v2;
	v5 =	vld.idx.msk [tilespmem:v16+s15+$0x0], $0xffff  }
0x194: {  	v16 =	vor.u32 $0xA, v1;
	v7 =	vld.idx.msk [tilespmem:v7+s13+$0x0], $0xffff  }
0x195: {  	v3 =	vadd.f32 v4, v3;
	v4 =	vmul.f32 v6, v13;
	v13 =	vor.u32 $0xB, v2;
	v6 =	vld.idx.msk [tilespmem:v14+s15+$0x0], $0xffff  }
0x196: {  	v14 =	vor.u32 $0xB, v1;
	v9 =	vld.idx.msk [tilespmem:v9+s13+$0x0], $0xffff  }
0x197: {  	v3 =	vadd.f32 v4, v3;
	v4 =	vmul.f32 v8, v10;
	v10 =	vor.u32 $0xC, v2;
	v8 =	vld.idx.msk [tilespmem:v15+s15+$0x0], $0xffff  }
0x198: {  	v15 =	vor.u32 $0xC, v1;
	v11 =	vld.idx.msk [tilespmem:v11+s13+$0x0], $0xffff  }
0x199: {  	v3 =	vadd.f32 v4, v3;
	v4 =	vmul.f32 v5, v12;
	v12 =	vor.u32 $0xD, v2;
	v5 =	vld.idx.msk [tilespmem:v16+s15+$0x0], $0xffff  }
0x19a: {  	v16 =	vor.u32 $0xD, v1;
	v13 =	vld.idx.msk [tilespmem:v13+s13+$0x0], $0xffff  }
0x19b: {  	v3 =	vadd.f32 v4, v3;
	v4 =	vmul.f32 v6, v7;
	v7 =	vor.u32 $0xE, v2;
	v6 =	vld.idx.msk [tilespmem:v14+s15+$0x0], $0xffff  }
0x19c: {  	v14 =	vor.u32 $0xE, v1;
	v10 =	vld.idx.msk [tilespmem:v10+s13+$0x0], $0xffff  }
0x19d: {  	v3 =	vadd.f32 v4, v3;
	v4 =	vmul.f32 v8, v9;
	v9 =	vor.u32 $0xF, v2;
	v8 =	vld.idx.msk [tilespmem:v15+s15+$0x0], $0xffff  }
0x19e: {  	v15 =	vor.u32 $0xF, v1;
	v12 =	vld.idx.msk [tilespmem:v12+s13+$0x0], $0xffff  }
0x19f: {  	v3 =	vadd.f32 v4, v3;
	v4 =	vmul.f32 v5, v11;
	v11 =	vor.u32 $0x10, v2;
	v5 =	vld.idx.msk [tilespmem:v16+s15+$0x0], $0xffff  }
0x1a0: {  	v16 =	vor.u32 $0x10, v1;
	v7 =	vld.idx.msk [tilespmem:v7+s13+$0x0], $0xffff  }
0x1a1: {  	v3 =	vadd.f32 v4, v3;
	v4 =	vmul.f32 v6, v13;
	v13 =	vor.u32 $0x11, v2;
	v6 =	vld.idx.msk [tilespmem:v14+s15+$0x0], $0xffff  }
0x1a2: {  	v14 =	vor.u32 $0x11, v1;
	v9 =	vld.idx.msk [tilespmem:v9+s13+$0x0], $0xffff  }
0x1a3: {  	v3 =	vadd.f32 v4, v3;
	v4 =	vmul.f32 v8, v10;
	v10 =	vor.u32 $0x12, v2;
	v8 =	vld.idx.msk [tilespmem:v15+s15+$0x0], $0xffff  }
0x1a4: {  	v15 =	vor.u32 $0x12, v1;
	v11 =	vld.idx.msk [tilespmem:v11+s13+$0x0], $0xffff  }
0x1a5: {  	v3 =	vadd.f32 v4, v3;
	v4 =	vmul.f32 v5, v12;
	v12 =	vor.u32 $0x13, v2;
	v5 =	vld.idx.msk [tilespmem:v16+s15+$0x0], $0xffff  }
0x1a6: {  	v16 =	vor.u32 $0x13, v1;
	v13 =	vld.idx.msk [tilespmem:v13+s13+$0x0], $0xffff  }
0x1a7: {  	v3 =	vadd.f32 v4, v3;
	v4 =	vmul.f32 v6, v7;
	v7 =	vor.u32 $0x14, v2;
	v6 =	vld.idx.msk [tilespmem:v14+s15+$0x0], $0xffff  }
0x1a8: {  	v14 =	vor.u32 $0x14, v1;
	v10 =	vld.idx.msk [tilespmem:v10+s13+$0x0], $0xffff  }
0x1a9: {  	v3 =	vadd.f32 v4, v3;
	v4 =	vmul.f32 v8, v9;
	v9 =	vor.u32 $0x15, v2;
	v8 =	vld.idx.msk [tilespmem:v15+s15+$0x0], $0xffff  }
0x1aa: {  	v15 =	vor.u32 $0x15, v1;
	v12 =	vld.idx.msk [tilespmem:v12+s13+$0x0], $0xffff  }
0x1ab: {  	v3 =	vadd.f32 v4, v3;
	v4 =	vmul.f32 v5, v11;
	v11 =	vor.u32 $0x16, v2;
	v5 =	vld.idx.msk [tilespmem:v16+s15+$0x0], $0xffff  }
0x1ac: {  	v16 =	vor.u32 $0x16, v1;
	v7 =	vld.idx.msk [tilespmem:v7+s13+$0x0], $0xffff  }
0x1ad: {  	v3 =	vadd.f32 v4, v3;
	v4 =	vmul.f32 v6, v13;
	v13 =	vor.u32 $0x17, v2;
	v6 =	vld.idx.msk [tilespmem:v14+s15+$0x0], $0xffff  }
0x1ae: {  	v14 =	vor.u32 $0x17, v1;
	v9 =	vld.idx.msk [tilespmem:v9+s13+$0x0], $0xffff  }
0x1af: {  	v3 =	vadd.f32 v4, v3;
	v4 =	vmul.f32 v8, v10;
	v10 =	vor.u32 $0x18, v2;
	v8 =	vld.idx.msk [tilespmem:v15+s15+$0x0], $0xffff  }
0x1b0: {  	v15 =	vor.u32 $0x18, v1;
	v11 =	vld.idx.msk [tilespmem:v11+s13+$0x0], $0xffff  }
0x1b1: {  	v3 =	vadd.f32 v4, v3;
	v4 =	vmul.f32 v5, v12;
	v12 =	vor.u32 $0x19, v2;
	v5 =	vld.idx.msk [tilespmem:v16+s15+$0x0], $0xffff  }
0x1b2: {  	v16 =	vor.u32 $0x19, v1;
	v13 =	vld.idx.msk [tilespmem:v13+s13+$0x0], $0xffff  }
0x1b3: {  	v3 =	vadd.f32 v4, v3;
	v4 =	vmul.f32 v6, v7;
	v7 =	vor.u32 $0x1A, v2;
	v6 =	vld.idx.msk [tilespmem:v14+s15+$0x0], $0xffff  }
0x1b4: {  	v14 =	vor.u32 $0x1A, v1;
	v10 =	vld.idx.msk [tilespmem:v10+s13+$0x0], $0xffff  }
0x1b5: {  	v3 =	vadd.f32 v4, v3;
	v4 =	vmul.f32 v8, v9;
	v9 =	vor.u32 $0x1B, v2;
	v8 =	vld.idx.msk [tilespmem:v15+s15+$0x0], $0xffff  }
0x1b6: {  	v15 =	vor.u32 $0x1B, v1;
	v12 =	vld.idx.msk [tilespmem:v12+s13+$0x0], $0xffff  }
0x1b7: {  	v3 =	vadd.f32 v4, v3;
	v4 =	vmul.f32 v5, v11;
	v11 =	vor.u32 $0x1C, v2;
	v5 =	vld.idx.msk [tilespmem:v16+s15+$0x0], $0xffff  }
0x1b8: {  	v16 =	vor.u32 $0x1C, v1;
	v7 =	vld.idx.msk [tilespmem:v7+s13+$0x0], $0xffff  }
0x1b9: {  	v3 =	vadd.f32 v4, v3;
	v4 =	vmul.f32 v6, v13;
	v13 =	vor.u32 $0x1D, v2;
	v6 =	vld.idx.msk [tilespmem:v14+s15+$0x0], $0xffff  }
0x1ba: {  	v14 =	vor.u32 $0x1D, v1;
	v9 =	vld.idx.msk [tilespmem:v9+s13+$0x0], $0xffff  }
0x1bb: {  	v3 =	vadd.f32 v4, v3;
	v4 =	vmul.f32 v8, v10;
	v10 =	vor.u32 $0x1E, v2;
	v8 =	vld.idx.msk [tilespmem:v15+s15+$0x0], $0xffff  }
0x1bc: {  	v15 =	vor.u32 $0x1E, v1;
	v11 =	vld.idx.msk [tilespmem:v11+s13+$0x0], $0xffff  }
0x1bd: {  	v2 =	vor.u32 $0x1F, v2;
	v3 =	vadd.f32 v4, v3;
	v4 =	vmul.f32 v5, v12;
	v5 =	vld.idx.msk [tilespmem:v16+s15+$0x0], $0xffff  }
0x1be: {  	v1 =	vor.u32 $0x1F, v1;
	v12 =	vld.idx.msk [tilespmem:v13+s13+$0x0], $0xffff  }
0x1bf: {  	v3 =	vadd.f32 v4, v3;
	v4 =	vmul.f32 v6, v7;
	v6 =	vld.idx.msk [tilespmem:v14+s15+$0x0], $0xffff  }
0x1c0: {  	v7 =	vld.idx.msk [tilespmem:v10+s13+$0x0], $0xffff  }
0x1c1: {  	v3 =	vadd.f32 v4, v3;
	v4 =	vmul.f32 v8, v9;
	v8 =	vld.idx.msk [tilespmem:v15+s15+$0x0], $0xffff  }
0x1c2: {  	v2 =	vld.idx.msk [tilespmem:v2+s13+$0x0], $0xffff  }
0x1c3: {  	v3 =	vadd.f32 v4, v3;
	v4 =	vmul.f32 v5, v11;
	v1 =	vld.idx.msk [tilespmem:v1+s15+$0x0], $0xffff;
	_ =	sdelay $0x1  }
0x1c4: {  	v3 =	vadd.f32 v4, v3;
	v4 =	vmul.f32 v6, v12;
	_ =	sdelay $0x1  }
0x1c5: {  	v3 =	vadd.f32 v4, v3;
	v4 =	vmul.f32 v8, v7;
	_ =	sdelay $0x1  }
0x1c6: {  	v3 =	vadd.f32 v4, v3;
	v1 =	vmul.f32 v1, v2;
	_ =	sdelay $0x1  }
.Ltmp2:
0x1c7: {  	v1 =	vadd.f32 v1, v3;
	(pc) =	sbr.rel @p0 .LBB2_6-.Ltmp2, $4  }
0x1c8: {  	s22 =	sadd.s32 $0x10, s22  }
0x1c9: {  	s23 =	sadd.s32 $0x10, s23;
	[tilespmem:s22+$0x0] =	vst v1  }
0x1ca: {  	s24 =	sadd.s32 $0x10, s24;
	v1 =	vld [tilespmem:s23+$0x0]  }
0x1cb: {  	s26 =	sadd.s32 $0x10, s26;
	v2 =	vld [tilespmem:s24+$0x0]  }
0x1cc: {  	_ =	sdelay $0x1  }
0x1cd: {  	v3 =	vmov s25  }
0x1ce: {  	v3 =	vshll.u32 v3, $0x7;
	v1 =	vshll.u32 v1, $0x5  }
0x1cf: {  	v3 =	vor.u32 v0, v3;
	v1 =	vand.u32 $0x60, v1;
	v2 =	vshll.u32 v2, $0x5  }
0x1d0: {  	v4 =	vand.u32 $0x60, v2;
	v2 =	vor.u32 v3, v1  }
0x1d1: {  	v1 =	vor.u32 v3, v4  }
0x1d2: {  	v3 =	vor.u32 $0x1, v2  }
0x1d3: {  	v4 =	vor.u32 $0x1, v1  }
0x1d4: {  	v5 =	vor.u32 $0x2, v2  }
0x1d5: {  	v7 =	vor.u32 $0x2, v1;
	v6 =	vld.idx.msk [tilespmem:v2+s13+$0x0], $0xffff  }
0x1d6: {  	v9 =	vor.u32 $0x3, v2;
	v8 =	vld.idx.msk [tilespmem:v1+s15+$0x0], $0xffff  }
0x1d7: {  	v10 =	vor.u32 $0x3, v1;
	v3 =	vld.idx.msk [tilespmem:v3+s13+$0x0], $0xffff  }
0x1d8: {  	v11 =	vor.u32 $0x4, v2;
	v4 =	vld.idx.msk [tilespmem:v4+s15+$0x0], $0xffff  }
0x1d9: {  	v12 =	vor.u32 $0x4, v1;
	v5 =	vld.idx.msk [tilespmem:v5+s13+$0x0], $0xffff  }
0x1da: {  	v13 =	vor.u32 $0x5, v2;
	v7 =	vld.idx.msk [tilespmem:v7+s15+$0x0], $0xffff  }
0x1db: {  	v14 =	vor.u32 $0x5, v1;
	v9 =	vld.idx.msk [tilespmem:v9+s13+$0x0], $0xffff;
	v6 =	vmul.f32 v8, v6  }
0x1dc: {  	v49 =	vor.u32 $0x6, v2;
	v48 =	vld.idx.msk [tilespmem:v10+s15+$0x0], $0xffff  }
0x1dd: {  	v15 =	vor.u32 $0x6, v1;
	v11 =	vld.idx.msk [tilespmem:v11+s13+$0x0], $0xffff;
	v3 =	vmul.f32 v4, v3;
	v6 =	vadd.f32 $0.0e+00, v6  }
0x1de: {  	v51 =	vor.u32 $0x7, v2;
	v50 =	vld.idx.msk [tilespmem:v12+s15+$0x0], $0xffff  }
0x1df: {  	v16 =	vor.u32 $0x7, v1;
	v13 =	vld.idx.msk [tilespmem:v13+s13+$0x0], $0xffff;
	v5 =	vmul.f32 v7, v5;
	v3 =	vadd.f32 v3, v6  }
0x1e0: {  	v54 =	vor.u32 $0x8, v1;
	v52 =	vld.idx.msk [tilespmem:v14+s15+$0x0], $0xffff  }
0x1e1: {  	v53 =	vor.u32 $0x8, v2;
	v10 =	vld.idx.msk [tilespmem:v49+s13+$0x0], $0xffff;
	v55 =	vmul.f32 v48, v9;
	v3 =	vadd.f32 v5, v3  }
0x1e2: {  	v58 =	vor.u32 $0x9, v1;
	v56 =	vld.idx.msk [tilespmem:v15+s15+$0x0], $0xffff  }
0x1e3: {  	v57 =	vor.u32 $0x9, v2;
	v12 =	vld.idx.msk [tilespmem:v51+s13+$0x0], $0xffff;
	v4 =	vmul.f32 v50, v11;
	v3 =	vadd.f32 v55, v3  }
0x1e4: {  	v61 =	vor.u32 $0xA, v1;
	v59 =	vld.idx.msk [tilespmem:v16+s15+$0x0], $0xffff  }
0x1e5: {  	v60 =	vor.u32 $0xA, v2;
	v63 =	vld.idx.msk [tilespmem:v54+s15+$0x0], $0xffff;
	v62 =	vmul.f32 v52, v13;
	v3 =	vadd.f32 v4, v3  }
0x1e6: {  	v20 =	vor.u32 $0xB, v1;
	v7 =	vld.idx.msk [tilespmem:v53+s13+$0x0], $0xffff  }
0x1e7: {  	v19 =	vor.u32 $0xB, v2;
	v22 =	vld.idx.msk [tilespmem:v58+s15+$0x0], $0xffff;
	v21 =	vmul.f32 v56, v10;
	v3 =	vadd.f32 v62, v3  }
0x1e8: {  	v24 =	vor.u32 $0xC, v1;
	v9 =	vld.idx.msk [tilespmem:v57+s13+$0x0], $0xffff  }
0x1e9: {  	v23 =	vor.u32 $0xC, v2;
	v26 =	vld.idx.msk [tilespmem:v61+s15+$0x0], $0xffff;
	v25 =	vmul.f32 v59, v12;
	v3 =	vadd.f32 v21, v3  }
0x1ea: {  	v28 =	vor.u32 $0xD, v1;
	v11 =	vld.idx.msk [tilespmem:v60+s13+$0x0], $0xffff  }
0x1eb: {  	v27 =	vor.u32 $0xD, v2;
	v30 =	vld.idx.msk [tilespmem:v20+s15+$0x0], $0xffff;
	v29 =	vmul.f32 v63, v7;
	v3 =	vadd.f32 v25, v3  }
0x1ec: {  	v32 =	vor.u32 $0xE, v1;
	v13 =	vld.idx.msk [tilespmem:v19+s13+$0x0], $0xffff  }
0x1ed: {  	v31 =	vor.u32 $0xE, v2;
	v34 =	vld.idx.msk [tilespmem:v24+s15+$0x0], $0xffff;
	v33 =	vmul.f32 v22, v9;
	v3 =	vadd.f32 v29, v3  }
0x1ee: {  	v36 =	vor.u32 $0xF, v1;
	v10 =	vld.idx.msk [tilespmem:v23+s13+$0x0], $0xffff  }
0x1ef: {  	v35 =	vor.u32 $0xF, v2;
	v38 =	vld.idx.msk [tilespmem:v28+s15+$0x0], $0xffff;
	v37 =	vmul.f32 v26, v11;
	v3 =	vadd.f32 v33, v3  }
0x1f0: {  	v40 =	vor.u32 $0x10, v1;
	v12 =	vld.idx.msk [tilespmem:v27+s13+$0x0], $0xffff  }
0x1f1: {  	v39 =	vor.u32 $0x10, v2;
	v42 =	vld.idx.msk [tilespmem:v32+s15+$0x0], $0xffff;
	v41 =	vmul.f32 v30, v13;
	v3 =	vadd.f32 v37, v3  }
0x1f2: {  	v44 =	vor.u32 $0x11, v1;
	v7 =	vld.idx.msk [tilespmem:v31+s13+$0x0], $0xffff  }
0x1f3: {  	v43 =	vor.u32 $0x11, v2;
	v46 =	vld.idx.msk [tilespmem:v36+s15+$0x0], $0xffff;
	v45 =	vmul.f32 v34, v10;
	v3 =	vadd.f32 v41, v3  }
0x1f4: {  	v47 =	vor.u32 $0x12, v2;
	v9 =	vld.idx.msk [tilespmem:v35+s13+$0x0], $0xffff  }
0x1f5: {  	v48 =	vor.u32 $0x12, v1;
	v50 =	vld.idx.msk [tilespmem:v40+s15+$0x0], $0xffff;
	v49 =	vmul.f32 v38, v12;
	v3 =	vadd.f32 v45, v3  }
0x1f6: {  	v51 =	vor.u32 $0x13, v2;
	v11 =	vld.idx.msk [tilespmem:v39+s13+$0x0], $0xffff  }
0x1f7: {  	v54 =	vld.idx.msk [tilespmem:v44+s15+$0x0], $0xffff;
	v52 =	vor.u32 $0x13, v1;
	v53 =	vmul.f32 v42, v7;
	v3 =	vadd.f32 v49, v3  }
0x1f8: {  	v56 =	vor.u32 $0x14, v1;
	v13 =	vld.idx.msk [tilespmem:v43+s13+$0x0], $0xffff  }
0x1f9: {  	v10 =	vld.idx.msk [tilespmem:v47+s13+$0x0], $0xffff;
	v55 =	vor.u32 $0x14, v2;
	v57 =	vmul.f32 v46, v9;
	v3 =	vadd.f32 v53, v3  }
0x1fa: {  	v60 =	vor.u32 $0x15, v1;
	v58 =	vld.idx.msk [tilespmem:v48+s15+$0x0], $0xffff  }
0x1fb: {  	v59 =	vor.u32 $0x15, v2;
	v12 =	vld.idx.msk [tilespmem:v51+s13+$0x0], $0xffff;
	v61 =	vmul.f32 v50, v11;
	v3 =	vadd.f32 v57, v3  }
0x1fc: {  	v20 =	vor.u32 $0x16, v1;
	v62 =	vld.idx.msk [tilespmem:v52+s15+$0x0], $0xffff  }
0x1fd: {  	v63 =	vor.u32 $0x16, v2;
	v22 =	vld.idx.msk [tilespmem:v56+s15+$0x0], $0xffff;
	v21 =	vmul.f32 v54, v13;
	v3 =	vadd.f32 v61, v3  }
0x1fe: {  	v24 =	vor.u32 $0x17, v1;
	v7 =	vld.idx.msk [tilespmem:v55+s13+$0x0], $0xffff  }
0x1ff: {  	v23 =	vor.u32 $0x17, v2;
	v26 =	vld.idx.msk [tilespmem:v60+s15+$0x0], $0xffff;
	v25 =	vmul.f32 v58, v10;
	v3 =	vadd.f32 v21, v3  }
0x200: {  	v28 =	vor.u32 $0x18, v1;
	v9 =	vld.idx.msk [tilespmem:v59+s13+$0x0], $0xffff  }
0x201: {  	v27 =	vor.u32 $0x18, v2;
	v30 =	vld.idx.msk [tilespmem:v20+s15+$0x0], $0xffff;
	v29 =	vmul.f32 v62, v12;
	v3 =	vadd.f32 v25, v3  }
0x202: {  	v32 =	vor.u32 $0x19, v1;
	v11 =	vld.idx.msk [tilespmem:v63+s13+$0x0], $0xffff  }
0x203: {  	v31 =	vor.u32 $0x19, v2;
	v34 =	vld.idx.msk [tilespmem:v24+s15+$0x0], $0xffff;
	v33 =	vmul.f32 v22, v7;
	v3 =	vadd.f32 v29, v3  }
0x204: {  	v36 =	vor.u32 $0x1A, v1;
	v13 =	vld.idx.msk [tilespmem:v23+s13+$0x0], $0xffff  }
0x205: {  	v35 =	vor.u32 $0x1A, v2;
	v38 =	vld.idx.msk [tilespmem:v28+s15+$0x0], $0xffff;
	v37 =	vmul.f32 v26, v9;
	v3 =	vadd.f32 v33, v3  }
0x206: {  	v40 =	vor.u32 $0x1B, v1;
	v10 =	vld.idx.msk [tilespmem:v27+s13+$0x0], $0xffff  }
0x207: {  	v39 =	vor.u32 $0x1B, v2;
	v42 =	vld.idx.msk [tilespmem:v32+s15+$0x0], $0xffff;
	v41 =	vmul.f32 v30, v11;
	v3 =	vadd.f32 v37, v3  }
0x208: {  	v44 =	vor.u32 $0x1C, v1;
	v12 =	vld.idx.msk [tilespmem:v31+s13+$0x0], $0xffff  }
0x209: {  	v43 =	vor.u32 $0x1C, v2;
	v46 =	vld.idx.msk [tilespmem:v36+s15+$0x0], $0xffff;
	v45 =	vmul.f32 v34, v13;
	v3 =	vadd.f32 v41, v3  }
0x20a: {  	v47 =	vor.u32 $0x1D, v2;
	v7 =	vld.idx.msk [tilespmem:v35+s13+$0x0], $0xffff  }
0x20b: {  	v48 =	vor.u32 $0x1D, v1;
	v50 =	vld.idx.msk [tilespmem:v40+s15+$0x0], $0xffff;
	v49 =	vmul.f32 v38, v10;
	v3 =	vadd.f32 v45, v3  }
0x20c: {  	v51 =	vor.u32 $0x1E, v2;
	v9 =	vld.idx.msk [tilespmem:v39+s13+$0x0], $0xffff  }
0x20d: {  	v52 =	vor.u32 $0x1E, v1;
	v54 =	vld.idx.msk [tilespmem:v44+s15+$0x0], $0xffff;
	v53 =	vmul.f32 v42, v12;
	v3 =	vadd.f32 v49, v3  }
0x20e: {  	v2 =	vor.u32 $0x1F, v2;
	v11 =	vld.idx.msk [tilespmem:v43+s13+$0x0], $0xffff  }
0x20f: {  	v1 =	vor.u32 $0x1F, v1;
	v55 =	vld.idx.msk [tilespmem:v47+s13+$0x0], $0xffff;
	v56 =	vmul.f32 v46, v7;
	v3 =	vadd.f32 v53, v3  }
0x210: {  	v57 =	vld.idx.msk [tilespmem:v48+s15+$0x0], $0xffff  }
0x211: {  	v58 =	vld.idx.msk [tilespmem:v51+s13+$0x0], $0xffff;
	v59 =	vmul.f32 v50, v9;
	v3 =	vadd.f32 v56, v3  }
0x212: {  	v60 =	vld.idx.msk [tilespmem:v52+s15+$0x0], $0xffff  }
0x213: {  	v2 =	vld.idx.msk [tilespmem:v2+s13+$0x0], $0xffff;
	v61 =	vmul.f32 v54, v11;
	v3 =	vadd.f32 v59, v3  }
0x214: {  	v1 =	vld.idx.msk [tilespmem:v1+s15+$0x0], $0xffff  }
0x215: {  	v62 =	vmul.f32 v57, v55;
	v3 =	vadd.f32 v61, v3;
	_ =	sdelay $0x1  }
0x216: {  	v63 =	vmul.f32 v60, v58;
	v3 =	vadd.f32 v62, v3;
	_ =	sdelay $0x1  }
0x217: {  	v1 =	vmul.f32 v1, v2;
	v3 =	vadd.f32 v63, v3;
	_ =	sdelay $0x1  }
0x218: {  	s21 =	sadd.s32 $0x1, s21;
	v1 =	vadd.f32 v1, v3  }
0x219: {  	s22 =	sadd.s32 $0x10, s22;
	p0 =	sne.s32 s21, s8  }
.Ltmp3:
0x21a: {  	[tilespmem:s22+$0x0] =	vst v1;
	(pc) =	sbr.rel @p0 .LBB2_1-.Ltmp3, $4  }
0x21b: {  	[hbm4b:s7+s1] =	stream.linear.scatter [tilespmem:s20], [sflag:$0x3], $0x200, $0x38;
	[tilespmem:$0x10A00] =	vst v63  }
0x21c: {  	_ =	swait.ge [sflag:s9], $0x200  }
0x21d: {  	[sflag:s9] =	ssyncset.done $0x0  }
0x21e: {  	[sflag:s9] =	ssyncadd.s32 $0xFFFFFE00  }
0x21f: {  	_ =	sfence.sel $0x180000  }
0x220: {  	[bflag:$0x0] =	sbarrier.arrive $0xFFFF  }
0x221: {  	p0 =	sne.s32 s2, $0x0;
	_ =	strace $0x90000047  }
0x222: {  	s0 =	sadd.s32 @!p0 $0x100000, s0;
	[bflag:$0x2] =	sbarrier.arrive $0xFFFF  }
0x223: {  	[sflag:s0] =	ssyncadd.tile.s32 @!p0 $0x1;
	_ =	shalt  }
.Lfunc_end2:
_tile_overlayer_lowered:
.L_overlay_start_2:
0x224: {  	(tag) =	ssettag $0x2  }
0x225: {  	s0 =	rddreg [dreg:$0x0];
	s2 =	stileid.u32  }
0x226: {  	s1 =	rddreg [dreg:$0x1];
	p0 =	sne.s32 s2, $0x0  }
0x227: {  	s3 =	rddreg [dreg:$0x2];
	[bflag:$0x3] =	sbarrier.arrive $0xFFFF;
	s2 =	simm.s32 @!p0 $0x1C03  }
0x228: {  	[timem:s3], [sflag:s2] =	dma.local @!p0 [hbm:s0], s1  }
0x229: {  	s0 =	simm.s32 @!p0 $0x3  }
0x22a: {  	_ =	swait.ge @!p0 [sflag:s0], s1  }
0x22b: {  	s1 =	ssub.s32 @!p0 $0x0, s1;
	[sflag:s0] =	ssyncset.done @!p0 $0x0  }
0x22c: {  	[sflag:s0] =	ssyncadd.s32 @!p0 s1  }
0x22d: {  	[bflag:$0x3] =	sbarrier.arrive $0xFFFF  }
0x22e: {  	_ =	shalt  }

</sc_bundles>
